<compile_context>
chip_gen: v7x
topology: tpu7x:2x2x1
jax: 0.10.2.dev20260603
libtpu: 0.0.44.dev20260713+nightly
codegen_flags: <defaults>
</compile_context>

<pallas_src>
import functools

import jax
import jax.numpy as jnp
from jax import lax
from jax.experimental import pallas as pl
from jax.experimental.pallas import tpu as pltpu
from jax.experimental.pallas import tpu_sc as plsc

B = 1024
L = 200
H = 128
POS_ROWS = 513
SEG_ROWS = 3
N = B * L
NW = 32
PER_W = N // NW
C = 128
NCHUNK = PER_W // C
NBUF = 6
NCOL = H // 16


def _fused_tc_body(tok_ref, pos_ref, seg_ref, out_ref):
    tp = tok_ref[...] + pos_ref[...]
    out_ref[...] = tp[None, :, :] + seg_ref[...][:, None, :]


def _sc_body(x_hbm, xseg_hbm, fused_hbm, out_hbm,
             xi, si, b0, b1, b2, b3, b4, b5,
             sg0, sg1, sg2, sg3, sg4, sg5,
             so0, so1, so2, so3, so4, so5):
    wid = lax.axis_index("s") * 2 + lax.axis_index("c")
    base = wid * PER_W
    pltpu.sync_copy(x_hbm.at[wid], xi)
    pltpu.sync_copy(xseg_hbm.at[wid], si)

    def mkidx(r, carry):
        for j in range(NCOL):
            sl = (r, pl.ds(j * 16, 16))
            si[sl] = si[sl] * POS_ROWS + xi[sl]
        return carry

    lax.fori_loop(0, NCHUNK, mkidx, 0)

    bufs = (b0, b1, b2, b3, b4, b5)
    sgs = (sg0, sg1, sg2, sg3, sg4, sg5)
    sos = (so0, so1, so2, so3, so4, so5)

    def issue(i, b):
        pltpu.async_copy(fused_hbm.at[si.at[i]], bufs[b], sgs[b])

    def wait_gather(b):
        pltpu.make_async_copy(fused_hbm.at[si.at[0]], bufs[b], sgs[b]).wait()

    def wait_out(b):
        pltpu.make_async_copy(
            bufs[b], out_hbm.at[pl.ds(base, C)], sos[b]).wait()

    for b in range(NBUF - 1):
        issue(b, b)

    def step(k, carry):
        for b in range(NBUF):
            i = NBUF * k + b
            wait_gather(b)
            pltpu.async_copy(
                bufs[b], out_hbm.at[pl.ds(base + i * C, C)], sos[b])
            nxt = (b + NBUF - 1) % NBUF

            @pl.when(NBUF * k + b + NBUF - 1 < NCHUNK)
            def _():
                @pl.when(k + b > 0)
                def _():
                    wait_out(nxt)

                issue(i + NBUF - 1, nxt)
        return carry

    lax.fori_loop(0, NCHUNK // NBUF, step, 0)
    for i in range(NBUF * (NCHUNK // NBUF), NCHUNK):
        b = i % NBUF
        wait_gather(b)
        pltpu.async_copy(
            bufs[b], out_hbm.at[pl.ds(base + i * C, C)], sos[b])
    for i in range(NCHUNK - NBUF, NCHUNK):
        wait_out(i % NBUF)


@jax.jit
def _run(x3d, xseg3d, tok513, pos_table, seg_table):
    fused = pl.pallas_call(
        _fused_tc_body,
        out_shape=jax.ShapeDtypeStruct((SEG_ROWS, POS_ROWS, H), jnp.float32),
    )(tok513, pos_table, seg_table)
    fused = fused.reshape(SEG_ROWS * POS_ROWS, H)

    mesh = plsc.VectorSubcoreMesh(core_axis_name="c", subcore_axis_name="s")
    call = pl.kernel(
        _sc_body,
        out_type=jax.ShapeDtypeStruct((N, H), jnp.float32),
        mesh=mesh,
        scratch_types=[
            pltpu.VMEM((NCHUNK, C), jnp.int32),
            pltpu.VMEM((NCHUNK, C), jnp.int32),
            pltpu.VMEM((C, H), jnp.float32),
            pltpu.VMEM((C, H), jnp.float32),
            pltpu.VMEM((C, H), jnp.float32),
            pltpu.VMEM((C, H), jnp.float32),
            pltpu.VMEM((C, H), jnp.float32),
            pltpu.VMEM((C, H), jnp.float32),
            pltpu.SemaphoreType.DMA,
            pltpu.SemaphoreType.DMA,
            pltpu.SemaphoreType.DMA,
            pltpu.SemaphoreType.DMA,
            pltpu.SemaphoreType.DMA,
            pltpu.SemaphoreType.DMA,
            pltpu.SemaphoreType.DMA,
            pltpu.SemaphoreType.DMA,
            pltpu.SemaphoreType.DMA,
            pltpu.SemaphoreType.DMA,
            pltpu.SemaphoreType.DMA,
            pltpu.SemaphoreType.DMA,
        ],
    )
    return call(x3d, xseg3d, fused)


def kernel(x, x_seg, token_table, pos_table, seg_table):
    x3d = x.reshape(NW, NCHUNK, C)
    xseg3d = x_seg.reshape(NW, NCHUNK, C)
    out = _run(x3d, xseg3d, token_table[:POS_ROWS], pos_table, seg_table)
    return out.reshape(B, L, H)

# --- scband reference (transcript-rebuilt; emitter-appended) ---
"""Pipeline reference for scband-bertinput-block-1236950581316 (READ-ONLY COPY).

The authoritative reference and input builder live on the scoring server;
editing this copy changes nothing except your own understanding.
"""

import jax, jax.numpy as jnp
import numpy as np

VOCAB = 1000000
HIDDEN = 128
MAX_SEQ = 512
PAD = 0
B = 1024
L = 200


def setup_inputs(seed: int = 0) -> dict:
    key = jax.random.key(seed)
    k1, k2, k3, k4, k5 = jax.random.split(key, 5)
    # NOTE: the original module indexes the positional embedding with x as well,
    # so x must be < MAX_SEQ + 1 (= 513) to stay in range for both tables.
    x = jax.random.randint(k1, (B, L), 0, MAX_SEQ + 1, dtype=jnp.int32)
    x_seg = jax.random.randint(k2, (B, L), 0, 3, dtype=jnp.int32)
    token_table = jax.random.normal(k3, (VOCAB, HIDDEN), dtype=jnp.float32) * 0.02
    pos_table = jax.random.normal(k4, (MAX_SEQ + 1, HIDDEN), dtype=jnp.float32) * 0.02
    seg_table = jax.random.normal(k5, (3, HIDDEN), dtype=jnp.float32) * 0.02
    # padding_idx rows are zero-initialized in nn.Embedding
    token_table = token_table.at[PAD].set(0.0)
    pos_table = pos_table.at[PAD].set(0.0)
    seg_table = seg_table.at[PAD].set(0.0)
    return {
        "x": x,
        "x_seg": x_seg,
        "token_table": token_table,
        "pos_table": pos_table,
        "seg_table": seg_table,
    }


def reference(x, x_seg, token_table, pos_table, seg_table):
    # token_emb(x) + positional_emb(x) + segment_emb(x_seg)
    out = jnp.take(token_table, x, axis=0) \
        + jnp.take(pos_table, x, axis=0) \
        + jnp.take(seg_table, x_seg, axis=0)
    # dropout p=0.0 (eval) -> identity
    return out

if __name__ == "__main__":
    import jax
    _d = setup_inputs()
    print(jax.jit(kernel)(*tuple(_d.values())))

</pallas_src>

<mosaic_0001>
#map = affine_map<(d0, d1) -> (0, 0, 0)>
#map1 = affine_map<(d0, d1) -> (0, 0)>
module attributes {stable_mosaic.version = 14 : i64} {
  func.func @_sc_body(%arg0: i32, %arg1: i32, %arg2: memref<32x50x128xi32, #tpu.memory_space<hbm>>, %arg3: memref<32x50x128xi32, #tpu.memory_space<hbm>>, %arg4: memref<1539x128xf32, #tpu.memory_space<hbm>>, %arg5: memref<204800x128xf32, #tpu.memory_space<hbm>>, %arg6: memref<50x128xi32, #tpu.memory_space<vmem>>, %arg7: memref<50x128xi32, #tpu.memory_space<vmem>>, %arg8: memref<128x128xf32, #tpu.memory_space<vmem>>, %arg9: memref<128x128xf32, #tpu.memory_space<vmem>>, %arg10: memref<128x128xf32, #tpu.memory_space<vmem>>, %arg11: memref<128x128xf32, #tpu.memory_space<vmem>>, %arg12: memref<128x128xf32, #tpu.memory_space<vmem>>, %arg13: memref<128x128xf32, #tpu.memory_space<vmem>>, %arg14: memref<!tpu.dma_semaphore, #tpu.memory_space<semaphore_mem>>, %arg15: memref<!tpu.dma_semaphore, #tpu.memory_space<semaphore_mem>>, %arg16: memref<!tpu.dma_semaphore, #tpu.memory_space<semaphore_mem>>, %arg17: memref<!tpu.dma_semaphore, #tpu.memory_space<semaphore_mem>>, %arg18: memref<!tpu.dma_semaphore, #tpu.memory_space<semaphore_mem>>, %arg19: memref<!tpu.dma_semaphore, #tpu.memory_space<semaphore_mem>>, %arg20: memref<!tpu.dma_semaphore, #tpu.memory_space<semaphore_mem>>, %arg21: memref<!tpu.dma_semaphore, #tpu.memory_space<semaphore_mem>>, %arg22: memref<!tpu.dma_semaphore, #tpu.memory_space<semaphore_mem>>, %arg23: memref<!tpu.dma_semaphore, #tpu.memory_space<semaphore_mem>>, %arg24: memref<!tpu.dma_semaphore, #tpu.memory_space<semaphore_mem>>, %arg25: memref<!tpu.dma_semaphore, #tpu.memory_space<semaphore_mem>>) attributes {dimension_semantics = [#tpu.dimension_semantics<core_parallel>, #tpu.dimension_semantics<subcore_parallel>], iteration_bounds = array<i64: 2, 16>, scalar_prefetch = 0 : i64, scratch_operands = 20 : i64, tpu.core_type = #tpu.core_type<sc_vector_subcore>, window_params = [{transform_indices = #map}, {transform_indices = #map}, {transform_indices = #map1}, {transform_indices = #map1}]} {
    %mul3A = arith.constant 2 : i32
    %mul3A_0 = arith.muli %arg1, %mul3A : i32
    %add3A = arith.addi %mul3A_0, %arg0 : i32
    %mul3A_1 = arith.constant 6400 : i32
    %mul3A_2 = arith.muli %add3A, %mul3A_1 : i32
    "tpu.region"() ({
      %run_scoped3A = tpu.sem_alloc : memref<!tpu.dma_semaphore, #tpu.memory_space<semaphore_mem>>
      %dma_start3A_97 = arith.constant 0 : i32
      %dma_start3A_98 = arith.constant 0 : i32
      %dma_start3A_99 = tpu.memref_slice %arg2[%add3A, %dma_start3A_97, %dma_start3A_98] : memref<32x50x128xi32, #tpu.memory_space<hbm>> -> memref<1x50x128xi32, #tpu.memory_space<hbm>>
      %dma_start3A_100 = tpu.memref_squeeze %dma_start3A_99 : memref<1x50x128xi32, #tpu.memory_space<hbm>> -> memref<50x128xi32, #tpu.memory_space<hbm>>
      %dma_start3A_101 = arith.constant 0 : i32
      %dma_start3A_102 = arith.constant 0 : i32
      %dma_start3A_103 = tpu.memref_slice %arg2[%add3A, %dma_start3A_101, %dma_start3A_102] : memref<32x50x128xi32, #tpu.memory_space<hbm>> -> memref<1x50x128xi32, #tpu.memory_space<hbm>>
      %dma_start3A_104 = tpu.memref_squeeze %dma_start3A_103 : memref<1x50x128xi32, #tpu.memory_space<hbm>> -> memref<50x128xi32, #tpu.memory_space<hbm>>
      tpu.enqueue_dma source(%dma_start3A_104 : memref<50x128xi32, #tpu.memory_space<hbm>>) target(%arg6 : memref<50x128xi32, #tpu.memory_space<vmem>>) target_semaphore(%run_scoped3A : memref<!tpu.dma_semaphore, #tpu.memory_space<semaphore_mem>>)
      %dma_wait3A_105 = arith.constant 0 : i32
      %dma_wait3A_106 = arith.constant 0 : i32
      %dma_wait3A_107 = tpu.memref_slice %arg2[%add3A, %dma_wait3A_105, %dma_wait3A_106] : memref<32x50x128xi32, #tpu.memory_space<hbm>> -> memref<1x50x128xi32, #tpu.memory_space<hbm>>
      %dma_wait3A_108 = tpu.memref_squeeze %dma_wait3A_107 : memref<1x50x128xi32, #tpu.memory_space<hbm>> -> memref<50x128xi32, #tpu.memory_space<hbm>>
      %dma_wait3A_109 = arith.constant 0 : i32
      %dma_wait3A_110 = arith.constant 0 : i32
      %dma_wait3A_111 = tpu.memref_slice %arg2[%add3A, %dma_wait3A_109, %dma_wait3A_110] : memref<32x50x128xi32, #tpu.memory_space<hbm>> -> memref<1x50x128xi32, #tpu.memory_space<hbm>>
      %dma_wait3A_112 = tpu.memref_squeeze %dma_wait3A_111 : memref<1x50x128xi32, #tpu.memory_space<hbm>> -> memref<50x128xi32, #tpu.memory_space<hbm>>
      tpu.wait_dma2 semaphore(%run_scoped3A : memref<!tpu.dma_semaphore, #tpu.memory_space<semaphore_mem>>) src(%dma_wait3A_112 : memref<50x128xi32, #tpu.memory_space<hbm>>) dst(%arg6 : memref<50x128xi32, #tpu.memory_space<vmem>>)
      tpu.yield
    }) : () -> ()
    "tpu.region"() ({
      %run_scoped3A = tpu.sem_alloc : memref<!tpu.dma_semaphore, #tpu.memory_space<semaphore_mem>>
      %dma_start3A_97 = arith.constant 0 : i32
      %dma_start3A_98 = arith.constant 0 : i32
      %dma_start3A_99 = tpu.memref_slice %arg3[%add3A, %dma_start3A_97, %dma_start3A_98] : memref<32x50x128xi32, #tpu.memory_space<hbm>> -> memref<1x50x128xi32, #tpu.memory_space<hbm>>
      %dma_start3A_100 = tpu.memref_squeeze %dma_start3A_99 : memref<1x50x128xi32, #tpu.memory_space<hbm>> -> memref<50x128xi32, #tpu.memory_space<hbm>>
      %dma_start3A_101 = arith.constant 0 : i32
      %dma_start3A_102 = arith.constant 0 : i32
      %dma_start3A_103 = tpu.memref_slice %arg3[%add3A, %dma_start3A_101, %dma_start3A_102] : memref<32x50x128xi32, #tpu.memory_space<hbm>> -> memref<1x50x128xi32, #tpu.memory_space<hbm>>
      %dma_start3A_104 = tpu.memref_squeeze %dma_start3A_103 : memref<1x50x128xi32, #tpu.memory_space<hbm>> -> memref<50x128xi32, #tpu.memory_space<hbm>>
      tpu.enqueue_dma source(%dma_start3A_104 : memref<50x128xi32, #tpu.memory_space<hbm>>) target(%arg7 : memref<50x128xi32, #tpu.memory_space<vmem>>) target_semaphore(%run_scoped3A : memref<!tpu.dma_semaphore, #tpu.memory_space<semaphore_mem>>)
      %dma_wait3A_105 = arith.constant 0 : i32
      %dma_wait3A_106 = arith.constant 0 : i32
      %dma_wait3A_107 = tpu.memref_slice %arg3[%add3A, %dma_wait3A_105, %dma_wait3A_106] : memref<32x50x128xi32, #tpu.memory_space<hbm>> -> memref<1x50x128xi32, #tpu.memory_space<hbm>>
      %dma_wait3A_108 = tpu.memref_squeeze %dma_wait3A_107 : memref<1x50x128xi32, #tpu.memory_space<hbm>> -> memref<50x128xi32, #tpu.memory_space<hbm>>
      %dma_wait3A_109 = arith.constant 0 : i32
      %dma_wait3A_110 = arith.constant 0 : i32
      %dma_wait3A_111 = tpu.memref_slice %arg3[%add3A, %dma_wait3A_109, %dma_wait3A_110] : memref<32x50x128xi32, #tpu.memory_space<hbm>> -> memref<1x50x128xi32, #tpu.memory_space<hbm>>
      %dma_wait3A_112 = tpu.memref_squeeze %dma_wait3A_111 : memref<1x50x128xi32, #tpu.memory_space<hbm>> -> memref<50x128xi32, #tpu.memory_space<hbm>>
      tpu.wait_dma2 semaphore(%run_scoped3A : memref<!tpu.dma_semaphore, #tpu.memory_space<semaphore_mem>>) src(%dma_wait3A_112 : memref<50x128xi32, #tpu.memory_space<hbm>>) dst(%arg7 : memref<50x128xi32, #tpu.memory_space<vmem>>)
      tpu.yield
    }) : () -> ()
    %scan3A = arith.constant 0 : i32
    %scan3A_3 = arith.constant 0 : i32
    %scan3A_4 = arith.constant 50 : i32
    %scan3A_5 = arith.addi %scan3A_3, %scan3A_4 : i32
    %scan3A_6 = arith.constant 1 : i32
    scf.for %scan3A_97 = %scan3A_3 to %scan3A_5 step %scan3A_6  : i32 {
      %get3A = arith.index_cast %scan3A_97 : i32 to index
      %get3A_98 = arith.constant 0 : index
      %get3A_99 = tpu.vector_load %arg7[%get3A, %get3A_98] {strides = array<i32>} : memref<50x128xi32, #tpu.memory_space<vmem>>, vector<1x16xi32>,
      %get3A_100 = vector.shape_cast %get3A_99 : vector<1x16xi32> to vector<16xi32>
      %mul3A_101 = arith.constant 513 : i32
      %mul3A_102 = vector.broadcast %mul3A_101 : i32 to vector<16xi32>
      %mul3A_103 = arith.muli %get3A_100, %mul3A_102 : vector<16xi32>
      %get3A_104 = arith.index_cast %scan3A_97 : i32 to index
      %get3A_105 = arith.constant 0 : index
      %get3A_106 = tpu.vector_load %arg6[%get3A_104, %get3A_105] {strides = array<i32>} : memref<50x128xi32, #tpu.memory_space<vmem>>, vector<1x16xi32>,
      %get3A_107 = vector.shape_cast %get3A_106 : vector<1x16xi32> to vector<16xi32>
      %add3A_108 = arith.addi %mul3A_103, %get3A_107 : vector<16xi32>
      %swap3A = arith.index_cast %scan3A_97 : i32 to index
      %swap3A_109 = arith.constant 0 : index
      %swap3A_110 = tpu.vector_load %arg7[%swap3A, %swap3A_109] {strides = array<i32>} : memref<50x128xi32, #tpu.memory_space<vmem>>, vector<1x16xi32>,
      %swap3A_111 = vector.shape_cast %swap3A_110 : vector<1x16xi32> to vector<16xi32>
      %swap3A_112 = vector.shape_cast %add3A_108 : vector<16xi32> to vector<1x16xi32>
      tpu.vector_store %arg7[%swap3A, %swap3A_109], %swap3A_112 {strides = array<i32>} : memref<50x128xi32, #tpu.memory_space<vmem>>, vector<1x16xi32>,
      %get3A_113 = arith.index_cast %scan3A_97 : i32 to index
      %get3A_114 = arith.constant 16 : index
      %get3A_115 = tpu.vector_load %arg7[%get3A_113, %get3A_114] {strides = array<i32>} : memref<50x128xi32, #tpu.memory_space<vmem>>, vector<1x16xi32>,
      %get3A_116 = vector.shape_cast %get3A_115 : vector<1x16xi32> to vector<16xi32>
      %mul3A_117 = arith.constant 513 : i32
      %mul3A_118 = vector.broadcast %mul3A_117 : i32 to vector<16xi32>
      %mul3A_119 = arith.muli %get3A_116, %mul3A_118 : vector<16xi32>
      %get3A_120 = arith.index_cast %scan3A_97 : i32 to index
      %get3A_121 = arith.constant 16 : index
      %get3A_122 = tpu.vector_load %arg6[%get3A_120, %get3A_121] {strides = array<i32>} : memref<50x128xi32, #tpu.memory_space<vmem>>, vector<1x16xi32>,
      %get3A_123 = vector.shape_cast %get3A_122 : vector<1x16xi32> to vector<16xi32>
      %add3A_124 = arith.addi %mul3A_119, %get3A_123 : vector<16xi32>
      %swap3A_125 = arith.index_cast %scan3A_97 : i32 to index
      %swap3A_126 = arith.constant 16 : index
      %swap3A_127 = tpu.vector_load %arg7[%swap3A_125, %swap3A_126] {strides = array<i32>} : memref<50x128xi32, #tpu.memory_space<vmem>>, vector<1x16xi32>,
      %swap3A_128 = vector.shape_cast %swap3A_127 : vector<1x16xi32> to vector<16xi32>
      %swap3A_129 = vector.shape_cast %add3A_124 : vector<16xi32> to vector<1x16xi32>
      tpu.vector_store %arg7[%swap3A_125, %swap3A_126], %swap3A_129 {strides = array<i32>} : memref<50x128xi32, #tpu.memory_space<vmem>>, vector<1x16xi32>,
      %get3A_130 = arith.index_cast %scan3A_97 : i32 to index
      %get3A_131 = arith.constant 32 : index
      %get3A_132 = tpu.vector_load %arg7[%get3A_130, %get3A_131] {strides = array<i32>} : memref<50x128xi32, #tpu.memory_space<vmem>>, vector<1x16xi32>,
      %get3A_133 = vector.shape_cast %get3A_132 : vector<1x16xi32> to vector<16xi32>
      %mul3A_134 = arith.constant 513 : i32
      %mul3A_135 = vector.broadcast %mul3A_134 : i32 to vector<16xi32>
      %mul3A_136 = arith.muli %get3A_133, %mul3A_135 : vector<16xi32>
      %get3A_137 = arith.index_cast %scan3A_97 : i32 to index
      %get3A_138 = arith.constant 32 : index
      %get3A_139 = tpu.vector_load %arg6[%get3A_137, %get3A_138] {strides = array<i32>} : memref<50x128xi32, #tpu.memory_space<vmem>>, vector<1x16xi32>,
      %get3A_140 = vector.shape_cast %get3A_139 : vector<1x16xi32> to vector<16xi32>
      %add3A_141 = arith.addi %mul3A_136, %get3A_140 : vector<16xi32>
      %swap3A_142 = arith.index_cast %scan3A_97 : i32 to index
      %swap3A_143 = arith.constant 32 : index
      %swap3A_144 = tpu.vector_load %arg7[%swap3A_142, %swap3A_143] {strides = array<i32>} : memref<50x128xi32, #tpu.memory_space<vmem>>, vector<1x16xi32>,
      %swap3A_145 = vector.shape_cast %swap3A_144 : vector<1x16xi32> to vector<16xi32>
      %swap3A_146 = vector.shape_cast %add3A_141 : vector<16xi32> to vector<1x16xi32>
      tpu.vector_store %arg7[%swap3A_142, %swap3A_143], %swap3A_146 {strides = array<i32>} : memref<50x128xi32, #tpu.memory_space<vmem>>, vector<1x16xi32>,
      %get3A_147 = arith.index_cast %scan3A_97 : i32 to index
      %get3A_148 = arith.constant 48 : index
      %get3A_149 = tpu.vector_load %arg7[%get3A_147, %get3A_148] {strides = array<i32>} : memref<50x128xi32, #tpu.memory_space<vmem>>, vector<1x16xi32>,
      %get3A_150 = vector.shape_cast %get3A_149 : vector<1x16xi32> to vector<16xi32>
      %mul3A_151 = arith.constant 513 : i32
      %mul3A_152 = vector.broadcast %mul3A_151 : i32 to vector<16xi32>
      %mul3A_153 = arith.muli %get3A_150, %mul3A_152 : vector<16xi32>
      %get3A_154 = arith.index_cast %scan3A_97 : i32 to index
      %get3A_155 = arith.constant 48 : index
      %get3A_156 = tpu.vector_load %arg6[%get3A_154, %get3A_155] {strides = array<i32>} : memref<50x128xi32, #tpu.memory_space<vmem>>, vector<1x16xi32>,
      %get3A_157 = vector.shape_cast %get3A_156 : vector<1x16xi32> to vector<16xi32>
      %add3A_158 = arith.addi %mul3A_153, %get3A_157 : vector<16xi32>
      %swap3A_159 = arith.index_cast %scan3A_97 : i32 to index
      %swap3A_160 = arith.constant 48 : index
      %swap3A_161 = tpu.vector_load %arg7[%swap3A_159, %swap3A_160] {strides = array<i32>} : memref<50x128xi32, #tpu.memory_space<vmem>>, vector<1x16xi32>,
      %swap3A_162 = vector.shape_cast %swap3A_161 : vector<1x16xi32> to vector<16xi32>
      %swap3A_163 = vector.shape_cast %add3A_158 : vector<16xi32> to vector<1x16xi32>
      tpu.vector_store %arg7[%swap3A_159, %swap3A_160], %swap3A_163 {strides = array<i32>} : memref<50x128xi32, #tpu.memory_space<vmem>>, vector<1x16xi32>,
      %get3A_164 = arith.index_cast %scan3A_97 : i32 to index
      %get3A_165 = arith.constant 64 : index
      %get3A_166 = tpu.vector_load %arg7[%get3A_164, %get3A_165] {strides = array<i32>} : memref<50x128xi32, #tpu.memory_space<vmem>>, vector<1x16xi32>,
      %get3A_167 = vector.shape_cast %get3A_166 : vector<1x16xi32> to vector<16xi32>
      %mul3A_168 = arith.constant 513 : i32
      %mul3A_169 = vector.broadcast %mul3A_168 : i32 to vector<16xi32>
      %mul3A_170 = arith.muli %get3A_167, %mul3A_169 : vector<16xi32>
      %get3A_171 = arith.index_cast %scan3A_97 : i32 to index
      %get3A_172 = arith.constant 64 : index
      %get3A_173 = tpu.vector_load %arg6[%get3A_171, %get3A_172] {strides = array<i32>} : memref<50x128xi32, #tpu.memory_space<vmem>>, vector<1x16xi32>,
      %get3A_174 = vector.shape_cast %get3A_173 : vector<1x16xi32> to vector<16xi32>
      %add3A_175 = arith.addi %mul3A_170, %get3A_174 : vector<16xi32>
      %swap3A_176 = arith.index_cast %scan3A_97 : i32 to index
      %swap3A_177 = arith.constant 64 : index
      %swap3A_178 = tpu.vector_load %arg7[%swap3A_176, %swap3A_177] {strides = array<i32>} : memref<50x128xi32, #tpu.memory_space<vmem>>, vector<1x16xi32>,
      %swap3A_179 = vector.shape_cast %swap3A_178 : vector<1x16xi32> to vector<16xi32>
      %swap3A_180 = vector.shape_cast %add3A_175 : vector<16xi32> to vector<1x16xi32>
      tpu.vector_store %arg7[%swap3A_176, %swap3A_177], %swap3A_180 {strides = array<i32>} : memref<50x128xi32, #tpu.memory_space<vmem>>, vector<1x16xi32>,
      %get3A_181 = arith.index_cast %scan3A_97 : i32 to index
      %get3A_182 = arith.constant 80 : index
      %get3A_183 = tpu.vector_load %arg7[%get3A_181, %get3A_182] {strides = array<i32>} : memref<50x128xi32, #tpu.memory_space<vmem>>, vector<1x16xi32>,
      %get3A_184 = vector.shape_cast %get3A_183 : vector<1x16xi32> to vector<16xi32>
      %mul3A_185 = arith.constant 513 : i32
      %mul3A_186 = vector.broadcast %mul3A_185 : i32 to vector<16xi32>
      %mul3A_187 = arith.muli %get3A_184, %mul3A_186 : vector<16xi32>
      %get3A_188 = arith.index_cast %scan3A_97 : i32 to index
      %get3A_189 = arith.constant 80 : index
      %get3A_190 = tpu.vector_load %arg6[%get3A_188, %get3A_189] {strides = array<i32>} : memref<50x128xi32, #tpu.memory_space<vmem>>, vector<1x16xi32>,
      %get3A_191 = vector.shape_cast %get3A_190 : vector<1x16xi32> to vector<16xi32>
      %add3A_192 = arith.addi %mul3A_187, %get3A_191 : vector<16xi32>
      %swap3A_193 = arith.index_cast %scan3A_97 : i32 to index
      %swap3A_194 = arith.constant 80 : index
      %swap3A_195 = tpu.vector_load %arg7[%swap3A_193, %swap3A_194] {strides = array<i32>} : memref<50x128xi32, #tpu.memory_space<vmem>>, vector<1x16xi32>,
      %swap3A_196 = vector.shape_cast %swap3A_195 : vector<1x16xi32> to vector<16xi32>
      %swap3A_197 = vector.shape_cast %add3A_192 : vector<16xi32> to vector<1x16xi32>
      tpu.vector_store %arg7[%swap3A_193, %swap3A_194], %swap3A_197 {strides = array<i32>} : memref<50x128xi32, #tpu.memory_space<vmem>>, vector<1x16xi32>,
      %get3A_198 = arith.index_cast %scan3A_97 : i32 to index
      %get3A_199 = arith.constant 96 : index
      %get3A_200 = tpu.vector_load %arg7[%get3A_198, %get3A_199] {strides = array<i32>} : memref<50x128xi32, #tpu.memory_space<vmem>>, vector<1x16xi32>,
      %get3A_201 = vector.shape_cast %get3A_200 : vector<1x16xi32> to vector<16xi32>
      %mul3A_202 = arith.constant 513 : i32
      %mul3A_203 = vector.broadcast %mul3A_202 : i32 to vector<16xi32>
      %mul3A_204 = arith.muli %get3A_201, %mul3A_203 : vector<16xi32>
      %get3A_205 = arith.index_cast %scan3A_97 : i32 to index
      %get3A_206 = arith.constant 96 : index
      %get3A_207 = tpu.vector_load %arg6[%get3A_205, %get3A_206] {strides = array<i32>} : memref<50x128xi32, #tpu.memory_space<vmem>>, vector<1x16xi32>,
      %get3A_208 = vector.shape_cast %get3A_207 : vector<1x16xi32> to vector<16xi32>
      %add3A_209 = arith.addi %mul3A_204, %get3A_208 : vector<16xi32>
      %swap3A_210 = arith.index_cast %scan3A_97 : i32 to index
      %swap3A_211 = arith.constant 96 : index
      %swap3A_212 = tpu.vector_load %arg7[%swap3A_210, %swap3A_211] {strides = array<i32>} : memref<50x128xi32, #tpu.memory_space<vmem>>, vector<1x16xi32>,
      %swap3A_213 = vector.shape_cast %swap3A_212 : vector<1x16xi32> to vector<16xi32>
      %swap3A_214 = vector.shape_cast %add3A_209 : vector<16xi32> to vector<1x16xi32>
      tpu.vector_store %arg7[%swap3A_210, %swap3A_211], %swap3A_214 {strides = array<i32>} : memref<50x128xi32, #tpu.memory_space<vmem>>, vector<1x16xi32>,
      %get3A_215 = arith.index_cast %scan3A_97 : i32 to index
      %get3A_216 = arith.constant 112 : index
      %get3A_217 = tpu.vector_load %arg7[%get3A_215, %get3A_216] {strides = array<i32>} : memref<50x128xi32, #tpu.memory_space<vmem>>, vector<1x16xi32>,
      %get3A_218 = vector.shape_cast %get3A_217 : vector<1x16xi32> to vector<16xi32>
      %mul3A_219 = arith.constant 513 : i32
      %mul3A_220 = vector.broadcast %mul3A_219 : i32 to vector<16xi32>
      %mul3A_221 = arith.muli %get3A_218, %mul3A_220 : vector<16xi32>
      %get3A_222 = arith.index_cast %scan3A_97 : i32 to index
      %get3A_223 = arith.constant 112 : index
      %get3A_224 = tpu.vector_load %arg6[%get3A_222, %get3A_223] {strides = array<i32>} : memref<50x128xi32, #tpu.memory_space<vmem>>, vector<1x16xi32>,
      %get3A_225 = vector.shape_cast %get3A_224 : vector<1x16xi32> to vector<16xi32>
      %add3A_226 = arith.addi %mul3A_221, %get3A_225 : vector<16xi32>
      %swap3A_227 = arith.index_cast %scan3A_97 : i32 to index
      %swap3A_228 = arith.constant 112 : index
      %swap3A_229 = tpu.vector_load %arg7[%swap3A_227, %swap3A_228] {strides = array<i32>} : memref<50x128xi32, #tpu.memory_space<vmem>>, vector<1x16xi32>,
      %swap3A_230 = vector.shape_cast %swap3A_229 : vector<1x16xi32> to vector<16xi32>
      %swap3A_231 = vector.shape_cast %add3A_226 : vector<16xi32> to vector<1x16xi32>
      tpu.vector_store %arg7[%swap3A_227, %swap3A_228], %swap3A_231 {strides = array<i32>} : memref<50x128xi32, #tpu.memory_space<vmem>>, vector<1x16xi32>,
    }
    %scan3A_7 = arith.constant 50 : i32
    %dma_start3A = arith.constant 0 : i32
    %dma_start3A_8 = arith.constant 0 : i32
    %dma_start3A_9 = tpu.memref_slice %arg7[%dma_start3A, %dma_start3A_8] : memref<50x128xi32, #tpu.memory_space<vmem>> -> memref<1x128xi32, #tpu.memory_space<vmem>>
    %dma_start3A_10 = tpu.memref_squeeze %dma_start3A_9 : memref<1x128xi32, #tpu.memory_space<vmem>> -> memref<128xi32, #tpu.memory_space<vmem>>
    %dma_start3A_11 = arith.constant 0 : i32
    %dma_start3A_12 = arith.constant 0 : i32
    %dma_start3A_13 = tpu.memref_slice %arg4[%dma_start3A_11, %dma_start3A_12] : memref<1539x128xf32, #tpu.memory_space<hbm>> -> memref<1539x128xf32, #tpu.memory_space<hbm>>
    tpu.enqueue_indirect_dma source(%dma_start3A_13 : memref<1539x128xf32, #tpu.memory_space<hbm>>) target(%arg8 : memref<128x128xf32, #tpu.memory_space<vmem>>) offsets(%dma_start3A_10 : memref<128xi32, #tpu.memory_space<vmem>>) semaphore(%arg14 : memref<!tpu.dma_semaphore, #tpu.memory_space<semaphore_mem>>)
    %dma_start3A_14 = arith.constant 1 : i32
    %dma_start3A_15 = arith.constant 0 : i32
    %dma_start3A_16 = tpu.memref_slice %arg7[%dma_start3A_14, %dma_start3A_15] : memref<50x128xi32, #tpu.memory_space<vmem>> -> memref<1x128xi32, #tpu.memory_space<vmem>>
    %dma_start3A_17 = tpu.memref_squeeze %dma_start3A_16 : memref<1x128xi32, #tpu.memory_space<vmem>> -> memref<128xi32, #tpu.memory_space<vmem>>
    %dma_start3A_18 = arith.constant 0 : i32
    %dma_start3A_19 = arith.constant 0 : i32
    %dma_start3A_20 = tpu.memref_slice %arg4[%dma_start3A_18, %dma_start3A_19] : memref<1539x128xf32, #tpu.memory_space<hbm>> -> memref<1539x128xf32, #tpu.memory_space<hbm>>
    tpu.enqueue_indirect_dma source(%dma_start3A_20 : memref<1539x128xf32, #tpu.memory_space<hbm>>) target(%arg9 : memref<128x128xf32, #tpu.memory_space<vmem>>) offsets(%dma_start3A_17 : memref<128xi32, #tpu.memory_space<vmem>>) semaphore(%arg15 : memref<!tpu.dma_semaphore, #tpu.memory_space<semaphore_mem>>)
    %dma_start3A_21 = arith.constant 2 : i32
    %dma_start3A_22 = arith.constant 0 : i32
    %dma_start3A_23 = tpu.memref_slice %arg7[%dma_start3A_21, %dma_start3A_22] : memref<50x128xi32, #tpu.memory_space<vmem>> -> memref<1x128xi32, #tpu.memory_space<vmem>>
    %dma_start3A_24 = tpu.memref_squeeze %dma_start3A_23 : memref<1x128xi32, #tpu.memory_space<vmem>> -> memref<128xi32, #tpu.memory_space<vmem>>
    %dma_start3A_25 = arith.constant 0 : i32
    %dma_start3A_26 = arith.constant 0 : i32
    %dma_start3A_27 = tpu.memref_slice %arg4[%dma_start3A_25, %dma_start3A_26] : memref<1539x128xf32, #tpu.memory_space<hbm>> -> memref<1539x128xf32, #tpu.memory_space<hbm>>
    tpu.enqueue_indirect_dma source(%dma_start3A_27 : memref<1539x128xf32, #tpu.memory_space<hbm>>) target(%arg10 : memref<128x128xf32, #tpu.memory_space<vmem>>) offsets(%dma_start3A_24 : memref<128xi32, #tpu.memory_space<vmem>>) semaphore(%arg16 : memref<!tpu.dma_semaphore, #tpu.memory_space<semaphore_mem>>)
    %dma_start3A_28 = arith.constant 3 : i32
    %dma_start3A_29 = arith.constant 0 : i32
    %dma_start3A_30 = tpu.memref_slice %arg7[%dma_start3A_28, %dma_start3A_29] : memref<50x128xi32, #tpu.memory_space<vmem>> -> memref<1x128xi32, #tpu.memory_space<vmem>>
    %dma_start3A_31 = tpu.memref_squeeze %dma_start3A_30 : memref<1x128xi32, #tpu.memory_space<vmem>> -> memref<128xi32, #tpu.memory_space<vmem>>
    %dma_start3A_32 = arith.constant 0 : i32
    %dma_start3A_33 = arith.constant 0 : i32
    %dma_start3A_34 = tpu.memref_slice %arg4[%dma_start3A_32, %dma_start3A_33] : memref<1539x128xf32, #tpu.memory_space<hbm>> -> memref<1539x128xf32, #tpu.memory_space<hbm>>
    tpu.enqueue_indirect_dma source(%dma_start3A_34 : memref<1539x128xf32, #tpu.memory_space<hbm>>) target(%arg11 : memref<128x128xf32, #tpu.memory_space<vmem>>) offsets(%dma_start3A_31 : memref<128xi32, #tpu.memory_space<vmem>>) semaphore(%arg17 : memref<!tpu.dma_semaphore, #tpu.memory_space<semaphore_mem>>)
    %dma_start3A_35 = arith.constant 4 : i32
    %dma_start3A_36 = arith.constant 0 : i32
    %dma_start3A_37 = tpu.memref_slice %arg7[%dma_start3A_35, %dma_start3A_36] : memref<50x128xi32, #tpu.memory_space<vmem>> -> memref<1x128xi32, #tpu.memory_space<vmem>>
    %dma_start3A_38 = tpu.memref_squeeze %dma_start3A_37 : memref<1x128xi32, #tpu.memory_space<vmem>> -> memref<128xi32, #tpu.memory_space<vmem>>
    %dma_start3A_39 = arith.constant 0 : i32
    %dma_start3A_40 = arith.constant 0 : i32
    %dma_start3A_41 = tpu.memref_slice %arg4[%dma_start3A_39, %dma_start3A_40] : memref<1539x128xf32, #tpu.memory_space<hbm>> -> memref<1539x128xf32, #tpu.memory_space<hbm>>
    tpu.enqueue_indirect_dma source(%dma_start3A_41 : memref<1539x128xf32, #tpu.memory_space<hbm>>) target(%arg12 : memref<128x128xf32, #tpu.memory_space<vmem>>) offsets(%dma_start3A_38 : memref<128xi32, #tpu.memory_space<vmem>>) semaphore(%arg18 : memref<!tpu.dma_semaphore, #tpu.memory_space<semaphore_mem>>)
    %scan3A_42 = arith.constant 0 : i32
    %scan3A_43 = arith.constant 0 : i32
    %scan3A_44 = arith.constant 8 : i32
    %scan3A_45 = arith.addi %scan3A_43, %scan3A_44 : i32
    %scan3A_46 = arith.constant 1 : i32
    scf.for %scan3A_97 = %scan3A_43 to %scan3A_45 step %scan3A_46  : i32 {
      %mul3A_98 = arith.constant 6 : i32
      %mul3A_99 = arith.muli %mul3A_98, %scan3A_97 : i32
      %add3A_100 = arith.constant 0 : i32
      %add3A_101 = arith.addi %mul3A_99, %add3A_100 : i32
      %dma_wait3A_102 = arith.constant 0 : i32
      %dma_wait3A_103 = arith.constant 0 : i32
      %dma_wait3A_104 = tpu.memref_slice %arg7[%dma_wait3A_102, %dma_wait3A_103] : memref<50x128xi32, #tpu.memory_space<vmem>> -> memref<1x128xi32, #tpu.memory_space<vmem>>
      %dma_wait3A_105 = tpu.memref_squeeze %dma_wait3A_104 : memref<1x128xi32, #tpu.memory_space<vmem>> -> memref<128xi32, #tpu.memory_space<vmem>>
      %dma_wait3A_106 = arith.constant 0 : i32
      %dma_wait3A_107 = arith.constant 0 : i32
      %dma_wait3A_108 = tpu.memref_slice %arg4[%dma_wait3A_106, %dma_wait3A_107] : memref<1539x128xf32, #tpu.memory_space<hbm>> -> memref<1539x128xf32, #tpu.memory_space<hbm>>
      tpu.wait_indirect_dma semaphore(%arg14 : memref<!tpu.dma_semaphore, #tpu.memory_space<semaphore_mem>>) src(%dma_wait3A_108 : memref<1539x128xf32, #tpu.memory_space<hbm>>) dst(%arg8 : memref<128x128xf32, #tpu.memory_space<vmem>>)
      %mul3A_109 = arith.constant 128 : i32
      %mul3A_110 = arith.muli %add3A_101, %mul3A_109 : i32
      %add3A_111 = arith.addi %mul3A_2, %mul3A_110 : i32
      %dma_start3A_112 = arith.constant 0 : i32
      %dma_start3A_113 = tpu.memref_slice %arg5[%add3A_111, %dma_start3A_112] : memref<204800x128xf32, #tpu.memory_space<hbm>> -> memref<128x128xf32, #tpu.memory_space<hbm>>
      %dma_start3A_114 = arith.constant 0 : i32
      %dma_start3A_115 = tpu.memref_slice %arg5[%add3A_111, %dma_start3A_114] : memref<204800x128xf32, #tpu.memory_space<hbm>> -> memref<128x128xf32, #tpu.memory_space<hbm>>
      tpu.enqueue_dma source(%arg8 : memref<128x128xf32, #tpu.memory_space<vmem>>) target(%dma_start3A_115 : memref<128x128xf32, #tpu.memory_space<hbm>>) target_semaphore(%arg20 : memref<!tpu.dma_semaphore, #tpu.memory_space<semaphore_mem>>)
      %mul3A_116 = arith.constant 6 : i32
      %mul3A_117 = arith.muli %mul3A_116, %scan3A_97 : i32
      %add3A_118 = arith.constant 0 : i32
      %add3A_119 = arith.addi %mul3A_117, %add3A_118 : i32
      %add3A_120 = arith.constant 6 : i32
      %add3A_121 = arith.addi %add3A_119, %add3A_120 : i32
      %sub3A = arith.constant 1 : i32
      %sub3A_122 = arith.subi %add3A_121, %sub3A : i32
      %lt3A = arith.constant 50 : i32
      %lt3A_123 = arith.cmpi slt, %sub3A_122, %lt3A : i32
      %convert_element_type3A = arith.extui %lt3A_123 : i1 to i32
      %cond3A = arith.constant 0 : i32
      %cond3A_124 = arith.cmpi ne, %convert_element_type3A, %cond3A : i32
      scf.if %cond3A_124 {
        %add3A_280 = arith.constant 0 : i32
        %add3A_281 = arith.addi %scan3A_97, %add3A_280 : i32
        %gt3A = arith.constant 0 : i32
        %gt3A_282 = arith.cmpi sgt, %add3A_281, %gt3A : i32
        %convert_element_type3A_283 = arith.extui %gt3A_282 : i1 to i32
        %cond3A_284 = arith.constant 0 : i32
        %cond3A_285 = arith.cmpi ne, %convert_element_type3A_283, %cond3A_284 : i32
        scf.if %cond3A_285 {
          %dma_wait3A_296 = arith.constant 0 : i32
          %dma_wait3A_297 = tpu.memref_slice %arg5[%mul3A_2, %dma_wait3A_296] : memref<204800x128xf32, #tpu.memory_space<hbm>> -> memref<128x128xf32, #tpu.memory_space<hbm>>
          %dma_wait3A_298 = arith.constant 0 : i32
          %dma_wait3A_299 = tpu.memref_slice %arg5[%mul3A_2, %dma_wait3A_298] : memref<204800x128xf32, #tpu.memory_space<hbm>> -> memref<128x128xf32, #tpu.memory_space<hbm>>
          tpu.wait_dma2 semaphore(%arg25 : memref<!tpu.dma_semaphore, #tpu.memory_space<semaphore_mem>>) src(%arg13 : memref<128x128xf32, #tpu.memory_space<vmem>>) dst(%dma_wait3A_299 : memref<128x128xf32, #tpu.memory_space<hbm>>)
        } else {
        }
        %add3A_286 = arith.constant 6 : i32
        %add3A_287 = arith.addi %add3A_101, %add3A_286 : i32
        %sub3A_288 = arith.constant 1 : i32
        %sub3A_289 = arith.subi %add3A_287, %sub3A_288 : i32
        %dma_start3A_290 = arith.constant 0 : i32
        %dma_start3A_291 = tpu.memref_slice %arg7[%sub3A_289, %dma_start3A_290] : memref<50x128xi32, #tpu.memory_space<vmem>> -> memref<1x128xi32, #tpu.memory_space<vmem>>
        %dma_start3A_292 = tpu.memref_squeeze %dma_start3A_291 : memref<1x128xi32, #tpu.memory_space<vmem>> -> memref<128xi32, #tpu.memory_space<vmem>>
        %dma_start3A_293 = arith.constant 0 : i32
        %dma_start3A_294 = arith.constant 0 : i32
        %dma_start3A_295 = tpu.memref_slice %arg4[%dma_start3A_293, %dma_start3A_294] : memref<1539x128xf32, #tpu.memory_space<hbm>> -> memref<1539x128xf32, #tpu.memory_space<hbm>>
        tpu.enqueue_indirect_dma source(%dma_start3A_295 : memref<1539x128xf32, #tpu.memory_space<hbm>>) target(%arg13 : memref<128x128xf32, #tpu.memory_space<vmem>>) offsets(%dma_start3A_292 : memref<128xi32, #tpu.memory_space<vmem>>) semaphore(%arg19 : memref<!tpu.dma_semaphore, #tpu.memory_space<semaphore_mem>>)
      } else {
      }
      %mul3A_125 = arith.constant 6 : i32
      %mul3A_126 = arith.muli %mul3A_125, %scan3A_97 : i32
      %add3A_127 = arith.constant 1 : i32
      %add3A_128 = arith.addi %mul3A_126, %add3A_127 : i32
      %dma_wait3A_129 = arith.constant 0 : i32
      %dma_wait3A_130 = arith.constant 0 : i32
      %dma_wait3A_131 = tpu.memref_slice %arg7[%dma_wait3A_129, %dma_wait3A_130] : memref<50x128xi32, #tpu.memory_space<vmem>> -> memref<1x128xi32, #tpu.memory_space<vmem>>
      %dma_wait3A_132 = tpu.memref_squeeze %dma_wait3A_131 : memref<1x128xi32, #tpu.memory_space<vmem>> -> memref<128xi32, #tpu.memory_space<vmem>>
      %dma_wait3A_133 = arith.constant 0 : i32
      %dma_wait3A_134 = arith.constant 0 : i32
      %dma_wait3A_135 = tpu.memref_slice %arg4[%dma_wait3A_133, %dma_wait3A_134] : memref<1539x128xf32, #tpu.memory_space<hbm>> -> memref<1539x128xf32, #tpu.memory_space<hbm>>
      tpu.wait_indirect_dma semaphore(%arg15 : memref<!tpu.dma_semaphore, #tpu.memory_space<semaphore_mem>>) src(%dma_wait3A_135 : memref<1539x128xf32, #tpu.memory_space<hbm>>) dst(%arg9 : memref<128x128xf32, #tpu.memory_space<vmem>>)
      %mul3A_136 = arith.constant 128 : i32
      %mul3A_137 = arith.muli %add3A_128, %mul3A_136 : i32
      %add3A_138 = arith.addi %mul3A_2, %mul3A_137 : i32
      %dma_start3A_139 = arith.constant 0 : i32
      %dma_start3A_140 = tpu.memref_slice %arg5[%add3A_138, %dma_start3A_139] : memref<204800x128xf32, #tpu.memory_space<hbm>> -> memref<128x128xf32, #tpu.memory_space<hbm>>
      %dma_start3A_141 = arith.constant 0 : i32
      %dma_start3A_142 = tpu.memref_slice %arg5[%add3A_138, %dma_start3A_141] : memref<204800x128xf32, #tpu.memory_space<hbm>> -> memref<128x128xf32, #tpu.memory_space<hbm>>
      tpu.enqueue_dma source(%arg9 : memref<128x128xf32, #tpu.memory_space<vmem>>) target(%dma_start3A_142 : memref<128x128xf32, #tpu.memory_space<hbm>>) target_semaphore(%arg21 : memref<!tpu.dma_semaphore, #tpu.memory_space<semaphore_mem>>)
      %mul3A_143 = arith.constant 6 : i32
      %mul3A_144 = arith.muli %mul3A_143, %scan3A_97 : i32
      %add3A_145 = arith.constant 1 : i32
      %add3A_146 = arith.addi %mul3A_144, %add3A_145 : i32
      %add3A_147 = arith.constant 6 : i32
      %add3A_148 = arith.addi %add3A_146, %add3A_147 : i32
      %sub3A_149 = arith.constant 1 : i32
      %sub3A_150 = arith.subi %add3A_148, %sub3A_149 : i32
      %lt3A_151 = arith.constant 50 : i32
      %lt3A_152 = arith.cmpi slt, %sub3A_150, %lt3A_151 : i32
      %convert_element_type3A_153 = arith.extui %lt3A_152 : i1 to i32
      %cond3A_154 = arith.constant 0 : i32
      %cond3A_155 = arith.cmpi ne, %convert_element_type3A_153, %cond3A_154 : i32
      scf.if %cond3A_155 {
        %add3A_280 = arith.constant 1 : i32
        %add3A_281 = arith.addi %scan3A_97, %add3A_280 : i32
        %gt3A = arith.constant 0 : i32
        %gt3A_282 = arith.cmpi sgt, %add3A_281, %gt3A : i32
        %convert_element_type3A_283 = arith.extui %gt3A_282 : i1 to i32
        %cond3A_284 = arith.constant 0 : i32
        %cond3A_285 = arith.cmpi ne, %convert_element_type3A_283, %cond3A_284 : i32
        scf.if %cond3A_285 {
          %dma_wait3A_296 = arith.constant 0 : i32
          %dma_wait3A_297 = tpu.memref_slice %arg5[%mul3A_2, %dma_wait3A_296] : memref<204800x128xf32, #tpu.memory_space<hbm>> -> memref<128x128xf32, #tpu.memory_space<hbm>>
          %dma_wait3A_298 = arith.constant 0 : i32
          %dma_wait3A_299 = tpu.memref_slice %arg5[%mul3A_2, %dma_wait3A_298] : memref<204800x128xf32, #tpu.memory_space<hbm>> -> memref<128x128xf32, #tpu.memory_space<hbm>>
          tpu.wait_dma2 semaphore(%arg20 : memref<!tpu.dma_semaphore, #tpu.memory_space<semaphore_mem>>) src(%arg8 : memref<128x128xf32, #tpu.memory_space<vmem>>) dst(%dma_wait3A_299 : memref<128x128xf32, #tpu.memory_space<hbm>>)
        } else {
        }
        %add3A_286 = arith.constant 6 : i32
        %add3A_287 = arith.addi %add3A_128, %add3A_286 : i32
        %sub3A_288 = arith.constant 1 : i32
        %sub3A_289 = arith.subi %add3A_287, %sub3A_288 : i32
        %dma_start3A_290 = arith.constant 0 : i32
        %dma_start3A_291 = tpu.memref_slice %arg7[%sub3A_289, %dma_start3A_290] : memref<50x128xi32, #tpu.memory_space<vmem>> -> memref<1x128xi32, #tpu.memory_space<vmem>>
        %dma_start3A_292 = tpu.memref_squeeze %dma_start3A_291 : memref<1x128xi32, #tpu.memory_space<vmem>> -> memref<128xi32, #tpu.memory_space<vmem>>
        %dma_start3A_293 = arith.constant 0 : i32
        %dma_start3A_294 = arith.constant 0 : i32
        %dma_start3A_295 = tpu.memref_slice %arg4[%dma_start3A_293, %dma_start3A_294] : memref<1539x128xf32, #tpu.memory_space<hbm>> -> memref<1539x128xf32, #tpu.memory_space<hbm>>
        tpu.enqueue_indirect_dma source(%dma_start3A_295 : memref<1539x128xf32, #tpu.memory_space<hbm>>) target(%arg8 : memref<128x128xf32, #tpu.memory_space<vmem>>) offsets(%dma_start3A_292 : memref<128xi32, #tpu.memory_space<vmem>>) semaphore(%arg14 : memref<!tpu.dma_semaphore, #tpu.memory_space<semaphore_mem>>)
      } else {
      }
      %mul3A_156 = arith.constant 6 : i32
      %mul3A_157 = arith.muli %mul3A_156, %scan3A_97 : i32
      %add3A_158 = arith.constant 2 : i32
      %add3A_159 = arith.addi %mul3A_157, %add3A_158 : i32
      %dma_wait3A_160 = arith.constant 0 : i32
      %dma_wait3A_161 = arith.constant 0 : i32
      %dma_wait3A_162 = tpu.memref_slice %arg7[%dma_wait3A_160, %dma_wait3A_161] : memref<50x128xi32, #tpu.memory_space<vmem>> -> memref<1x128xi32, #tpu.memory_space<vmem>>
      %dma_wait3A_163 = tpu.memref_squeeze %dma_wait3A_162 : memref<1x128xi32, #tpu.memory_space<vmem>> -> memref<128xi32, #tpu.memory_space<vmem>>
      %dma_wait3A_164 = arith.constant 0 : i32
      %dma_wait3A_165 = arith.constant 0 : i32
      %dma_wait3A_166 = tpu.memref_slice %arg4[%dma_wait3A_164, %dma_wait3A_165] : memref<1539x128xf32, #tpu.memory_space<hbm>> -> memref<1539x128xf32, #tpu.memory_space<hbm>>
      tpu.wait_indirect_dma semaphore(%arg16 : memref<!tpu.dma_semaphore, #tpu.memory_space<semaphore_mem>>) src(%dma_wait3A_166 : memref<1539x128xf32, #tpu.memory_space<hbm>>) dst(%arg10 : memref<128x128xf32, #tpu.memory_space<vmem>>)
      %mul3A_167 = arith.constant 128 : i32
      %mul3A_168 = arith.muli %add3A_159, %mul3A_167 : i32
      %add3A_169 = arith.addi %mul3A_2, %mul3A_168 : i32
      %dma_start3A_170 = arith.constant 0 : i32
      %dma_start3A_171 = tpu.memref_slice %arg5[%add3A_169, %dma_start3A_170] : memref<204800x128xf32, #tpu.memory_space<hbm>> -> memref<128x128xf32, #tpu.memory_space<hbm>>
      %dma_start3A_172 = arith.constant 0 : i32
      %dma_start3A_173 = tpu.memref_slice %arg5[%add3A_169, %dma_start3A_172] : memref<204800x128xf32, #tpu.memory_space<hbm>> -> memref<128x128xf32, #tpu.memory_space<hbm>>
      tpu.enqueue_dma source(%arg10 : memref<128x128xf32, #tpu.memory_space<vmem>>) target(%dma_start3A_173 : memref<128x128xf32, #tpu.memory_space<hbm>>) target_semaphore(%arg22 : memref<!tpu.dma_semaphore, #tpu.memory_space<semaphore_mem>>)
      %mul3A_174 = arith.constant 6 : i32
      %mul3A_175 = arith.muli %mul3A_174, %scan3A_97 : i32
      %add3A_176 = arith.constant 2 : i32
      %add3A_177 = arith.addi %mul3A_175, %add3A_176 : i32
      %add3A_178 = arith.constant 6 : i32
      %add3A_179 = arith.addi %add3A_177, %add3A_178 : i32
      %sub3A_180 = arith.constant 1 : i32
      %sub3A_181 = arith.subi %add3A_179, %sub3A_180 : i32
      %lt3A_182 = arith.constant 50 : i32
      %lt3A_183 = arith.cmpi slt, %sub3A_181, %lt3A_182 : i32
      %convert_element_type3A_184 = arith.extui %lt3A_183 : i1 to i32
      %cond3A_185 = arith.constant 0 : i32
      %cond3A_186 = arith.cmpi ne, %convert_element_type3A_184, %cond3A_185 : i32
      scf.if %cond3A_186 {
        %add3A_280 = arith.constant 2 : i32
        %add3A_281 = arith.addi %scan3A_97, %add3A_280 : i32
        %gt3A = arith.constant 0 : i32
        %gt3A_282 = arith.cmpi sgt, %add3A_281, %gt3A : i32
        %convert_element_type3A_283 = arith.extui %gt3A_282 : i1 to i32
        %cond3A_284 = arith.constant 0 : i32
        %cond3A_285 = arith.cmpi ne, %convert_element_type3A_283, %cond3A_284 : i32
        scf.if %cond3A_285 {
          %dma_wait3A_296 = arith.constant 0 : i32
          %dma_wait3A_297 = tpu.memref_slice %arg5[%mul3A_2, %dma_wait3A_296] : memref<204800x128xf32, #tpu.memory_space<hbm>> -> memref<128x128xf32, #tpu.memory_space<hbm>>
          %dma_wait3A_298 = arith.constant 0 : i32
          %dma_wait3A_299 = tpu.memref_slice %arg5[%mul3A_2, %dma_wait3A_298] : memref<204800x128xf32, #tpu.memory_space<hbm>> -> memref<128x128xf32, #tpu.memory_space<hbm>>
          tpu.wait_dma2 semaphore(%arg21 : memref<!tpu.dma_semaphore, #tpu.memory_space<semaphore_mem>>) src(%arg9 : memref<128x128xf32, #tpu.memory_space<vmem>>) dst(%dma_wait3A_299 : memref<128x128xf32, #tpu.memory_space<hbm>>)
        } else {
        }
        %add3A_286 = arith.constant 6 : i32
        %add3A_287 = arith.addi %add3A_159, %add3A_286 : i32
        %sub3A_288 = arith.constant 1 : i32
        %sub3A_289 = arith.subi %add3A_287, %sub3A_288 : i32
        %dma_start3A_290 = arith.constant 0 : i32
        %dma_start3A_291 = tpu.memref_slice %arg7[%sub3A_289, %dma_start3A_290] : memref<50x128xi32, #tpu.memory_space<vmem>> -> memref<1x128xi32, #tpu.memory_space<vmem>>
        %dma_start3A_292 = tpu.memref_squeeze %dma_start3A_291 : memref<1x128xi32, #tpu.memory_space<vmem>> -> memref<128xi32, #tpu.memory_space<vmem>>
        %dma_start3A_293 = arith.constant 0 : i32
        %dma_start3A_294 = arith.constant 0 : i32
        %dma_start3A_295 = tpu.memref_slice %arg4[%dma_start3A_293, %dma_start3A_294] : memref<1539x128xf32, #tpu.memory_space<hbm>> -> memref<1539x128xf32, #tpu.memory_space<hbm>>
        tpu.enqueue_indirect_dma source(%dma_start3A_295 : memref<1539x128xf32, #tpu.memory_space<hbm>>) target(%arg9 : memref<128x128xf32, #tpu.memory_space<vmem>>) offsets(%dma_start3A_292 : memref<128xi32, #tpu.memory_space<vmem>>) semaphore(%arg15 : memref<!tpu.dma_semaphore, #tpu.memory_space<semaphore_mem>>)
      } else {
      }
      %mul3A_187 = arith.constant 6 : i32
      %mul3A_188 = arith.muli %mul3A_187, %scan3A_97 : i32
      %add3A_189 = arith.constant 3 : i32
      %add3A_190 = arith.addi %mul3A_188, %add3A_189 : i32
      %dma_wait3A_191 = arith.constant 0 : i32
      %dma_wait3A_192 = arith.constant 0 : i32
      %dma_wait3A_193 = tpu.memref_slice %arg7[%dma_wait3A_191, %dma_wait3A_192] : memref<50x128xi32, #tpu.memory_space<vmem>> -> memref<1x128xi32, #tpu.memory_space<vmem>>
      %dma_wait3A_194 = tpu.memref_squeeze %dma_wait3A_193 : memref<1x128xi32, #tpu.memory_space<vmem>> -> memref<128xi32, #tpu.memory_space<vmem>>
      %dma_wait3A_195 = arith.constant 0 : i32
      %dma_wait3A_196 = arith.constant 0 : i32
      %dma_wait3A_197 = tpu.memref_slice %arg4[%dma_wait3A_195, %dma_wait3A_196] : memref<1539x128xf32, #tpu.memory_space<hbm>> -> memref<1539x128xf32, #tpu.memory_space<hbm>>
      tpu.wait_indirect_dma semaphore(%arg17 : memref<!tpu.dma_semaphore, #tpu.memory_space<semaphore_mem>>) src(%dma_wait3A_197 : memref<1539x128xf32, #tpu.memory_space<hbm>>) dst(%arg11 : memref<128x128xf32, #tpu.memory_space<vmem>>)
      %mul3A_198 = arith.constant 128 : i32
      %mul3A_199 = arith.muli %add3A_190, %mul3A_198 : i32
      %add3A_200 = arith.addi %mul3A_2, %mul3A_199 : i32
      %dma_start3A_201 = arith.constant 0 : i32
      %dma_start3A_202 = tpu.memref_slice %arg5[%add3A_200, %dma_start3A_201] : memref<204800x128xf32, #tpu.memory_space<hbm>> -> memref<128x128xf32, #tpu.memory_space<hbm>>
      %dma_start3A_203 = arith.constant 0 : i32
      %dma_start3A_204 = tpu.memref_slice %arg5[%add3A_200, %dma_start3A_203] : memref<204800x128xf32, #tpu.memory_space<hbm>> -> memref<128x128xf32, #tpu.memory_space<hbm>>
      tpu.enqueue_dma source(%arg11 : memref<128x128xf32, #tpu.memory_space<vmem>>) target(%dma_start3A_204 : memref<128x128xf32, #tpu.memory_space<hbm>>) target_semaphore(%arg23 : memref<!tpu.dma_semaphore, #tpu.memory_space<semaphore_mem>>)
      %mul3A_205 = arith.constant 6 : i32
      %mul3A_206 = arith.muli %mul3A_205, %scan3A_97 : i32
      %add3A_207 = arith.constant 3 : i32
      %add3A_208 = arith.addi %mul3A_206, %add3A_207 : i32
      %add3A_209 = arith.constant 6 : i32
      %add3A_210 = arith.addi %add3A_208, %add3A_209 : i32
      %sub3A_211 = arith.constant 1 : i32
      %sub3A_212 = arith.subi %add3A_210, %sub3A_211 : i32
      %lt3A_213 = arith.constant 50 : i32
      %lt3A_214 = arith.cmpi slt, %sub3A_212, %lt3A_213 : i32
      %convert_element_type3A_215 = arith.extui %lt3A_214 : i1 to i32
      %cond3A_216 = arith.constant 0 : i32
      %cond3A_217 = arith.cmpi ne, %convert_element_type3A_215, %cond3A_216 : i32
      scf.if %cond3A_217 {
        %add3A_280 = arith.constant 3 : i32
        %add3A_281 = arith.addi %scan3A_97, %add3A_280 : i32
        %gt3A = arith.constant 0 : i32
        %gt3A_282 = arith.cmpi sgt, %add3A_281, %gt3A : i32
        %convert_element_type3A_283 = arith.extui %gt3A_282 : i1 to i32
        %cond3A_284 = arith.constant 0 : i32
        %cond3A_285 = arith.cmpi ne, %convert_element_type3A_283, %cond3A_284 : i32
        scf.if %cond3A_285 {
          %dma_wait3A_296 = arith.constant 0 : i32
          %dma_wait3A_297 = tpu.memref_slice %arg5[%mul3A_2, %dma_wait3A_296] : memref<204800x128xf32, #tpu.memory_space<hbm>> -> memref<128x128xf32, #tpu.memory_space<hbm>>
          %dma_wait3A_298 = arith.constant 0 : i32
          %dma_wait3A_299 = tpu.memref_slice %arg5[%mul3A_2, %dma_wait3A_298] : memref<204800x128xf32, #tpu.memory_space<hbm>> -> memref<128x128xf32, #tpu.memory_space<hbm>>
          tpu.wait_dma2 semaphore(%arg22 : memref<!tpu.dma_semaphore, #tpu.memory_space<semaphore_mem>>) src(%arg10 : memref<128x128xf32, #tpu.memory_space<vmem>>) dst(%dma_wait3A_299 : memref<128x128xf32, #tpu.memory_space<hbm>>)
        } else {
        }
        %add3A_286 = arith.constant 6 : i32
        %add3A_287 = arith.addi %add3A_190, %add3A_286 : i32
        %sub3A_288 = arith.constant 1 : i32
        %sub3A_289 = arith.subi %add3A_287, %sub3A_288 : i32
        %dma_start3A_290 = arith.constant 0 : i32
        %dma_start3A_291 = tpu.memref_slice %arg7[%sub3A_289, %dma_start3A_290] : memref<50x128xi32, #tpu.memory_space<vmem>> -> memref<1x128xi32, #tpu.memory_space<vmem>>
        %dma_start3A_292 = tpu.memref_squeeze %dma_start3A_291 : memref<1x128xi32, #tpu.memory_space<vmem>> -> memref<128xi32, #tpu.memory_space<vmem>>
        %dma_start3A_293 = arith.constant 0 : i32
        %dma_start3A_294 = arith.constant 0 : i32
        %dma_start3A_295 = tpu.memref_slice %arg4[%dma_start3A_293, %dma_start3A_294] : memref<1539x128xf32, #tpu.memory_space<hbm>> -> memref<1539x128xf32, #tpu.memory_space<hbm>>
        tpu.enqueue_indirect_dma source(%dma_start3A_295 : memref<1539x128xf32, #tpu.memory_space<hbm>>) target(%arg10 : memref<128x128xf32, #tpu.memory_space<vmem>>) offsets(%dma_start3A_292 : memref<128xi32, #tpu.memory_space<vmem>>) semaphore(%arg16 : memref<!tpu.dma_semaphore, #tpu.memory_space<semaphore_mem>>)
      } else {
      }
      %mul3A_218 = arith.constant 6 : i32
      %mul3A_219 = arith.muli %mul3A_218, %scan3A_97 : i32
      %add3A_220 = arith.constant 4 : i32
      %add3A_221 = arith.addi %mul3A_219, %add3A_220 : i32
      %dma_wait3A_222 = arith.constant 0 : i32
      %dma_wait3A_223 = arith.constant 0 : i32
      %dma_wait3A_224 = tpu.memref_slice %arg7[%dma_wait3A_222, %dma_wait3A_223] : memref<50x128xi32, #tpu.memory_space<vmem>> -> memref<1x128xi32, #tpu.memory_space<vmem>>
      %dma_wait3A_225 = tpu.memref_squeeze %dma_wait3A_224 : memref<1x128xi32, #tpu.memory_space<vmem>> -> memref<128xi32, #tpu.memory_space<vmem>>
      %dma_wait3A_226 = arith.constant 0 : i32
      %dma_wait3A_227 = arith.constant 0 : i32
      %dma_wait3A_228 = tpu.memref_slice %arg4[%dma_wait3A_226, %dma_wait3A_227] : memref<1539x128xf32, #tpu.memory_space<hbm>> -> memref<1539x128xf32, #tpu.memory_space<hbm>>
      tpu.wait_indirect_dma semaphore(%arg18 : memref<!tpu.dma_semaphore, #tpu.memory_space<semaphore_mem>>) src(%dma_wait3A_228 : memref<1539x128xf32, #tpu.memory_space<hbm>>) dst(%arg12 : memref<128x128xf32, #tpu.memory_space<vmem>>)
      %mul3A_229 = arith.constant 128 : i32
      %mul3A_230 = arith.muli %add3A_221, %mul3A_229 : i32
      %add3A_231 = arith.addi %mul3A_2, %mul3A_230 : i32
      %dma_start3A_232 = arith.constant 0 : i32
      %dma_start3A_233 = tpu.memref_slice %arg5[%add3A_231, %dma_start3A_232] : memref<204800x128xf32, #tpu.memory_space<hbm>> -> memref<128x128xf32, #tpu.memory_space<hbm>>
      %dma_start3A_234 = arith.constant 0 : i32
      %dma_start3A_235 = tpu.memref_slice %arg5[%add3A_231, %dma_start3A_234] : memref<204800x128xf32, #tpu.memory_space<hbm>> -> memref<128x128xf32, #tpu.memory_space<hbm>>
      tpu.enqueue_dma source(%arg12 : memref<128x128xf32, #tpu.memory_space<vmem>>) target(%dma_start3A_235 : memref<128x128xf32, #tpu.memory_space<hbm>>) target_semaphore(%arg24 : memref<!tpu.dma_semaphore, #tpu.memory_space<semaphore_mem>>)
      %mul3A_236 = arith.constant 6 : i32
      %mul3A_237 = arith.muli %mul3A_236, %scan3A_97 : i32
      %add3A_238 = arith.constant 4 : i32
      %add3A_239 = arith.addi %mul3A_237, %add3A_238 : i32
      %add3A_240 = arith.constant 6 : i32
      %add3A_241 = arith.addi %add3A_239, %add3A_240 : i32
      %sub3A_242 = arith.constant 1 : i32
      %sub3A_243 = arith.subi %add3A_241, %sub3A_242 : i32
      %lt3A_244 = arith.constant 50 : i32
      %lt3A_245 = arith.cmpi slt, %sub3A_243, %lt3A_244 : i32
      %convert_element_type3A_246 = arith.extui %lt3A_245 : i1 to i32
      %cond3A_247 = arith.constant 0 : i32
      %cond3A_248 = arith.cmpi ne, %convert_element_type3A_246, %cond3A_247 : i32
      scf.if %cond3A_248 {
        %add3A_280 = arith.constant 4 : i32
        %add3A_281 = arith.addi %scan3A_97, %add3A_280 : i32
        %gt3A = arith.constant 0 : i32
        %gt3A_282 = arith.cmpi sgt, %add3A_281, %gt3A : i32
        %convert_element_type3A_283 = arith.extui %gt3A_282 : i1 to i32
        %cond3A_284 = arith.constant 0 : i32
        %cond3A_285 = arith.cmpi ne, %convert_element_type3A_283, %cond3A_284 : i32
        scf.if %cond3A_285 {
          %dma_wait3A_296 = arith.constant 0 : i32
          %dma_wait3A_297 = tpu.memref_slice %arg5[%mul3A_2, %dma_wait3A_296] : memref<204800x128xf32, #tpu.memory_space<hbm>> -> memref<128x128xf32, #tpu.memory_space<hbm>>
          %dma_wait3A_298 = arith.constant 0 : i32
          %dma_wait3A_299 = tpu.memref_slice %arg5[%mul3A_2, %dma_wait3A_298] : memref<204800x128xf32, #tpu.memory_space<hbm>> -> memref<128x128xf32, #tpu.memory_space<hbm>>
          tpu.wait_dma2 semaphore(%arg23 : memref<!tpu.dma_semaphore, #tpu.memory_space<semaphore_mem>>) src(%arg11 : memref<128x128xf32, #tpu.memory_space<vmem>>) dst(%dma_wait3A_299 : memref<128x128xf32, #tpu.memory_space<hbm>>)
        } else {
        }
        %add3A_286 = arith.constant 6 : i32
        %add3A_287 = arith.addi %add3A_221, %add3A_286 : i32
        %sub3A_288 = arith.constant 1 : i32
        %sub3A_289 = arith.subi %add3A_287, %sub3A_288 : i32
        %dma_start3A_290 = arith.constant 0 : i32
        %dma_start3A_291 = tpu.memref_slice %arg7[%sub3A_289, %dma_start3A_290] : memref<50x128xi32, #tpu.memory_space<vmem>> -> memref<1x128xi32, #tpu.memory_space<vmem>>
        %dma_start3A_292 = tpu.memref_squeeze %dma_start3A_291 : memref<1x128xi32, #tpu.memory_space<vmem>> -> memref<128xi32, #tpu.memory_space<vmem>>
        %dma_start3A_293 = arith.constant 0 : i32
        %dma_start3A_294 = arith.constant 0 : i32
        %dma_start3A_295 = tpu.memref_slice %arg4[%dma_start3A_293, %dma_start3A_294] : memref<1539x128xf32, #tpu.memory_space<hbm>> -> memref<1539x128xf32, #tpu.memory_space<hbm>>
        tpu.enqueue_indirect_dma source(%dma_start3A_295 : memref<1539x128xf32, #tpu.memory_space<hbm>>) target(%arg11 : memref<128x128xf32, #tpu.memory_space<vmem>>) offsets(%dma_start3A_292 : memref<128xi32, #tpu.memory_space<vmem>>) semaphore(%arg17 : memref<!tpu.dma_semaphore, #tpu.memory_space<semaphore_mem>>)
      } else {
      }
      %mul3A_249 = arith.constant 6 : i32
      %mul3A_250 = arith.muli %mul3A_249, %scan3A_97 : i32
      %add3A_251 = arith.constant 5 : i32
      %add3A_252 = arith.addi %mul3A_250, %add3A_251 : i32
      %dma_wait3A_253 = arith.constant 0 : i32
      %dma_wait3A_254 = arith.constant 0 : i32
      %dma_wait3A_255 = tpu.memref_slice %arg7[%dma_wait3A_253, %dma_wait3A_254] : memref<50x128xi32, #tpu.memory_space<vmem>> -> memref<1x128xi32, #tpu.memory_space<vmem>>
      %dma_wait3A_256 = tpu.memref_squeeze %dma_wait3A_255 : memref<1x128xi32, #tpu.memory_space<vmem>> -> memref<128xi32, #tpu.memory_space<vmem>>
      %dma_wait3A_257 = arith.constant 0 : i32
      %dma_wait3A_258 = arith.constant 0 : i32
      %dma_wait3A_259 = tpu.memref_slice %arg4[%dma_wait3A_257, %dma_wait3A_258] : memref<1539x128xf32, #tpu.memory_space<hbm>> -> memref<1539x128xf32, #tpu.memory_space<hbm>>
      tpu.wait_indirect_dma semaphore(%arg19 : memref<!tpu.dma_semaphore, #tpu.memory_space<semaphore_mem>>) src(%dma_wait3A_259 : memref<1539x128xf32, #tpu.memory_space<hbm>>) dst(%arg13 : memref<128x128xf32, #tpu.memory_space<vmem>>)
      %mul3A_260 = arith.constant 128 : i32
      %mul3A_261 = arith.muli %add3A_252, %mul3A_260 : i32
      %add3A_262 = arith.addi %mul3A_2, %mul3A_261 : i32
      %dma_start3A_263 = arith.constant 0 : i32
      %dma_start3A_264 = tpu.memref_slice %arg5[%add3A_262, %dma_start3A_263] : memref<204800x128xf32, #tpu.memory_space<hbm>> -> memref<128x128xf32, #tpu.memory_space<hbm>>
      %dma_start3A_265 = arith.constant 0 : i32
      %dma_start3A_266 = tpu.memref_slice %arg5[%add3A_262, %dma_start3A_265] : memref<204800x128xf32, #tpu.memory_space<hbm>> -> memref<128x128xf32, #tpu.memory_space<hbm>>
      tpu.enqueue_dma source(%arg13 : memref<128x128xf32, #tpu.memory_space<vmem>>) target(%dma_start3A_266 : memref<128x128xf32, #tpu.memory_space<hbm>>) target_semaphore(%arg25 : memref<!tpu.dma_semaphore, #tpu.memory_space<semaphore_mem>>)
      %mul3A_267 = arith.constant 6 : i32
      %mul3A_268 = arith.muli %mul3A_267, %scan3A_97 : i32
      %add3A_269 = arith.constant 5 : i32
      %add3A_270 = arith.addi %mul3A_268, %add3A_269 : i32
      %add3A_271 = arith.constant 6 : i32
      %add3A_272 = arith.addi %add3A_270, %add3A_271 : i32
      %sub3A_273 = arith.constant 1 : i32
      %sub3A_274 = arith.subi %add3A_272, %sub3A_273 : i32
      %lt3A_275 = arith.constant 50 : i32
      %lt3A_276 = arith.cmpi slt, %sub3A_274, %lt3A_275 : i32
      %convert_element_type3A_277 = arith.extui %lt3A_276 : i1 to i32
      %cond3A_278 = arith.constant 0 : i32
      %cond3A_279 = arith.cmpi ne, %convert_element_type3A_277, %cond3A_278 : i32
      scf.if %cond3A_279 {
        %add3A_280 = arith.constant 5 : i32
        %add3A_281 = arith.addi %scan3A_97, %add3A_280 : i32
        %gt3A = arith.constant 0 : i32
        %gt3A_282 = arith.cmpi sgt, %add3A_281, %gt3A : i32
        %convert_element_type3A_283 = arith.extui %gt3A_282 : i1 to i32
        %cond3A_284 = arith.constant 0 : i32
        %cond3A_285 = arith.cmpi ne, %convert_element_type3A_283, %cond3A_284 : i32
        scf.if %cond3A_285 {
          %dma_wait3A_296 = arith.constant 0 : i32
          %dma_wait3A_297 = tpu.memref_slice %arg5[%mul3A_2, %dma_wait3A_296] : memref<204800x128xf32, #tpu.memory_space<hbm>> -> memref<128x128xf32, #tpu.memory_space<hbm>>
          %dma_wait3A_298 = arith.constant 0 : i32
          %dma_wait3A_299 = tpu.memref_slice %arg5[%mul3A_2, %dma_wait3A_298] : memref<204800x128xf32, #tpu.memory_space<hbm>> -> memref<128x128xf32, #tpu.memory_space<hbm>>
          tpu.wait_dma2 semaphore(%arg24 : memref<!tpu.dma_semaphore, #tpu.memory_space<semaphore_mem>>) src(%arg12 : memref<128x128xf32, #tpu.memory_space<vmem>>) dst(%dma_wait3A_299 : memref<128x128xf32, #tpu.memory_space<hbm>>)
        } else {
        }
        %add3A_286 = arith.constant 6 : i32
        %add3A_287 = arith.addi %add3A_252, %add3A_286 : i32
        %sub3A_288 = arith.constant 1 : i32
        %sub3A_289 = arith.subi %add3A_287, %sub3A_288 : i32
        %dma_start3A_290 = arith.constant 0 : i32
        %dma_start3A_291 = tpu.memref_slice %arg7[%sub3A_289, %dma_start3A_290] : memref<50x128xi32, #tpu.memory_space<vmem>> -> memref<1x128xi32, #tpu.memory_space<vmem>>
        %dma_start3A_292 = tpu.memref_squeeze %dma_start3A_291 : memref<1x128xi32, #tpu.memory_space<vmem>> -> memref<128xi32, #tpu.memory_space<vmem>>
        %dma_start3A_293 = arith.constant 0 : i32
        %dma_start3A_294 = arith.constant 0 : i32
        %dma_start3A_295 = tpu.memref_slice %arg4[%dma_start3A_293, %dma_start3A_294] : memref<1539x128xf32, #tpu.memory_space<hbm>> -> memref<1539x128xf32, #tpu.memory_space<hbm>>
        tpu.enqueue_indirect_dma source(%dma_start3A_295 : memref<1539x128xf32, #tpu.memory_space<hbm>>) target(%arg12 : memref<128x128xf32, #tpu.memory_space<vmem>>) offsets(%dma_start3A_292 : memref<128xi32, #tpu.memory_space<vmem>>) semaphore(%arg18 : memref<!tpu.dma_semaphore, #tpu.memory_space<semaphore_mem>>)
      } else {
      }
    }
    %scan3A_47 = arith.constant 8 : i32
    %dma_wait3A = arith.constant 0 : i32
    %dma_wait3A_48 = arith.constant 0 : i32
    %dma_wait3A_49 = tpu.memref_slice %arg7[%dma_wait3A, %dma_wait3A_48] : memref<50x128xi32, #tpu.memory_space<vmem>> -> memref<1x128xi32, #tpu.memory_space<vmem>>
    %dma_wait3A_50 = tpu.memref_squeeze %dma_wait3A_49 : memref<1x128xi32, #tpu.memory_space<vmem>> -> memref<128xi32, #tpu.memory_space<vmem>>
    %dma_wait3A_51 = arith.constant 0 : i32
    %dma_wait3A_52 = arith.constant 0 : i32
    %dma_wait3A_53 = tpu.memref_slice %arg4[%dma_wait3A_51, %dma_wait3A_52] : memref<1539x128xf32, #tpu.memory_space<hbm>> -> memref<1539x128xf32, #tpu.memory_space<hbm>>
    tpu.wait_indirect_dma semaphore(%arg14 : memref<!tpu.dma_semaphore, #tpu.memory_space<semaphore_mem>>) src(%dma_wait3A_53 : memref<1539x128xf32, #tpu.memory_space<hbm>>) dst(%arg8 : memref<128x128xf32, #tpu.memory_space<vmem>>)
    %add3A_54 = arith.constant 6144 : i32
    %add3A_55 = arith.addi %mul3A_2, %add3A_54 : i32
    %dma_start3A_56 = arith.constant 0 : i32
    %dma_start3A_57 = tpu.memref_slice %arg5[%add3A_55, %dma_start3A_56] : memref<204800x128xf32, #tpu.memory_space<hbm>> -> memref<128x128xf32, #tpu.memory_space<hbm>>
    %dma_start3A_58 = arith.constant 0 : i32
    %dma_start3A_59 = tpu.memref_slice %arg5[%add3A_55, %dma_start3A_58] : memref<204800x128xf32, #tpu.memory_space<hbm>> -> memref<128x128xf32, #tpu.memory_space<hbm>>
    tpu.enqueue_dma source(%arg8 : memref<128x128xf32, #tpu.memory_space<vmem>>) target(%dma_start3A_59 : memref<128x128xf32, #tpu.memory_space<hbm>>) target_semaphore(%arg20 : memref<!tpu.dma_semaphore, #tpu.memory_space<semaphore_mem>>)
    %dma_wait3A_60 = arith.constant 0 : i32
    %dma_wait3A_61 = arith.constant 0 : i32
    %dma_wait3A_62 = tpu.memref_slice %arg7[%dma_wait3A_60, %dma_wait3A_61] : memref<50x128xi32, #tpu.memory_space<vmem>> -> memref<1x128xi32, #tpu.memory_space<vmem>>
    %dma_wait3A_63 = tpu.memref_squeeze %dma_wait3A_62 : memref<1x128xi32, #tpu.memory_space<vmem>> -> memref<128xi32, #tpu.memory_space<vmem>>
    %dma_wait3A_64 = arith.constant 0 : i32
    %dma_wait3A_65 = arith.constant 0 : i32
    %dma_wait3A_66 = tpu.memref_slice %arg4[%dma_wait3A_64, %dma_wait3A_65] : memref<1539x128xf32, #tpu.memory_space<hbm>> -> memref<1539x128xf32, #tpu.memory_space<hbm>>
    tpu.wait_indirect_dma semaphore(%arg15 : memref<!tpu.dma_semaphore, #tpu.memory_space<semaphore_mem>>) src(%dma_wait3A_66 : memref<1539x128xf32, #tpu.memory_space<hbm>>) dst(%arg9 : memref<128x128xf32, #tpu.memory_space<vmem>>)
    %add3A_67 = arith.constant 6272 : i32
    %add3A_68 = arith.addi %mul3A_2, %add3A_67 : i32
    %dma_start3A_69 = arith.constant 0 : i32
    %dma_start3A_70 = tpu.memref_slice %arg5[%add3A_68, %dma_start3A_69] : memref<204800x128xf32, #tpu.memory_space<hbm>> -> memref<128x128xf32, #tpu.memory_space<hbm>>
    %dma_start3A_71 = arith.constant 0 : i32
    %dma_start3A_72 = tpu.memref_slice %arg5[%add3A_68, %dma_start3A_71] : memref<204800x128xf32, #tpu.memory_space<hbm>> -> memref<128x128xf32, #tpu.memory_space<hbm>>
    tpu.enqueue_dma source(%arg9 : memref<128x128xf32, #tpu.memory_space<vmem>>) target(%dma_start3A_72 : memref<128x128xf32, #tpu.memory_space<hbm>>) target_semaphore(%arg21 : memref<!tpu.dma_semaphore, #tpu.memory_space<semaphore_mem>>)
    %dma_wait3A_73 = arith.constant 0 : i32
    %dma_wait3A_74 = tpu.memref_slice %arg5[%mul3A_2, %dma_wait3A_73] : memref<204800x128xf32, #tpu.memory_space<hbm>> -> memref<128x128xf32, #tpu.memory_space<hbm>>
    %dma_wait3A_75 = arith.constant 0 : i32
    %dma_wait3A_76 = tpu.memref_slice %arg5[%mul3A_2, %dma_wait3A_75] : memref<204800x128xf32, #tpu.memory_space<hbm>> -> memref<128x128xf32, #tpu.memory_space<hbm>>
    tpu.wait_dma2 semaphore(%arg22 : memref<!tpu.dma_semaphore, #tpu.memory_space<semaphore_mem>>) src(%arg10 : memref<128x128xf32, #tpu.memory_space<vmem>>) dst(%dma_wait3A_76 : memref<128x128xf32, #tpu.memory_space<hbm>>)
    %dma_wait3A_77 = arith.constant 0 : i32
    %dma_wait3A_78 = tpu.memref_slice %arg5[%mul3A_2, %dma_wait3A_77] : memref<204800x128xf32, #tpu.memory_space<hbm>> -> memref<128x128xf32, #tpu.memory_space<hbm>>
    %dma_wait3A_79 = arith.constant 0 : i32
    %dma_wait3A_80 = tpu.memref_slice %arg5[%mul3A_2, %dma_wait3A_79] : memref<204800x128xf32, #tpu.memory_space<hbm>> -> memref<128x128xf32, #tpu.memory_space<hbm>>
    tpu.wait_dma2 semaphore(%arg23 : memref<!tpu.dma_semaphore, #tpu.memory_space<semaphore_mem>>) src(%arg11 : memref<128x128xf32, #tpu.memory_space<vmem>>) dst(%dma_wait3A_80 : memref<128x128xf32, #tpu.memory_space<hbm>>)
    %dma_wait3A_81 = arith.constant 0 : i32
    %dma_wait3A_82 = tpu.memref_slice %arg5[%mul3A_2, %dma_wait3A_81] : memref<204800x128xf32, #tpu.memory_space<hbm>> -> memref<128x128xf32, #tpu.memory_space<hbm>>
    %dma_wait3A_83 = arith.constant 0 : i32
    %dma_wait3A_84 = tpu.memref_slice %arg5[%mul3A_2, %dma_wait3A_83] : memref<204800x128xf32, #tpu.memory_space<hbm>> -> memref<128x128xf32, #tpu.memory_space<hbm>>
    tpu.wait_dma2 semaphore(%arg24 : memref<!tpu.dma_semaphore, #tpu.memory_space<semaphore_mem>>) src(%arg12 : memref<128x128xf32, #tpu.memory_space<vmem>>) dst(%dma_wait3A_84 : memref<128x128xf32, #tpu.memory_space<hbm>>)
    %dma_wait3A_85 = arith.constant 0 : i32
    %dma_wait3A_86 = tpu.memref_slice %arg5[%mul3A_2, %dma_wait3A_85] : memref<204800x128xf32, #tpu.memory_space<hbm>> -> memref<128x128xf32, #tpu.memory_space<hbm>>
    %dma_wait3A_87 = arith.constant 0 : i32
    %dma_wait3A_88 = tpu.memref_slice %arg5[%mul3A_2, %dma_wait3A_87] : memref<204800x128xf32, #tpu.memory_space<hbm>> -> memref<128x128xf32, #tpu.memory_space<hbm>>
    tpu.wait_dma2 semaphore(%arg25 : memref<!tpu.dma_semaphore, #tpu.memory_space<semaphore_mem>>) src(%arg13 : memref<128x128xf32, #tpu.memory_space<vmem>>) dst(%dma_wait3A_88 : memref<128x128xf32, #tpu.memory_space<hbm>>)
    %dma_wait3A_89 = arith.constant 0 : i32
    %dma_wait3A_90 = tpu.memref_slice %arg5[%mul3A_2, %dma_wait3A_89] : memref<204800x128xf32, #tpu.memory_space<hbm>> -> memref<128x128xf32, #tpu.memory_space<hbm>>
    %dma_wait3A_91 = arith.constant 0 : i32
    %dma_wait3A_92 = tpu.memref_slice %arg5[%mul3A_2, %dma_wait3A_91] : memref<204800x128xf32, #tpu.memory_space<hbm>> -> memref<128x128xf32, #tpu.memory_space<hbm>>
    tpu.wait_dma2 semaphore(%arg20 : memref<!tpu.dma_semaphore, #tpu.memory_space<semaphore_mem>>) src(%arg8 : memref<128x128xf32, #tpu.memory_space<vmem>>) dst(%dma_wait3A_92 : memref<128x128xf32, #tpu.memory_space<hbm>>)
    %dma_wait3A_93 = arith.constant 0 : i32
    %dma_wait3A_94 = tpu.memref_slice %arg5[%mul3A_2, %dma_wait3A_93] : memref<204800x128xf32, #tpu.memory_space<hbm>> -> memref<128x128xf32, #tpu.memory_space<hbm>>
    %dma_wait3A_95 = arith.constant 0 : i32
    %dma_wait3A_96 = tpu.memref_slice %arg5[%mul3A_2, %dma_wait3A_95] : memref<204800x128xf32, #tpu.memory_space<hbm>> -> memref<128x128xf32, #tpu.memory_space<hbm>>
    tpu.wait_dma2 semaphore(%arg21 : memref<!tpu.dma_semaphore, #tpu.memory_space<semaphore_mem>>) src(%arg9 : memref<128x128xf32, #tpu.memory_space<vmem>>) dst(%dma_wait3A_96 : memref<128x128xf32, #tpu.memory_space<hbm>>)
    return
  }
}

module attributes {stable_mosaic.version = 14 : i64} {
  func.func @_fused_tc_body(%arg0: memref<513x128xf32, #tpu.memory_space<vmem>>, %arg1: memref<513x128xf32, #tpu.memory_space<vmem>>, %arg2: memref<3x128xf32, #tpu.memory_space<vmem>>, %arg3: memref<3x513x128xf32, #tpu.memory_space<vmem>>) attributes {dimension_semantics = [], scalar_prefetch = 0 : i64, scratch_operands = 0 : i64, tpu.core_type = #tpu.core_type<tc>} {
    %get3A = arith.constant 0 : index
    %get3A_0 = arith.constant 0 : index
    %get3A_1 = vector.load %arg0[%get3A, %get3A_0] : memref<513x128xf32, #tpu.memory_space<vmem>>, vector<513x128xf32>
    %get3A_2 = arith.constant 0 : index
    %get3A_3 = arith.constant 0 : index
    %get3A_4 = vector.load %arg1[%get3A_2, %get3A_3] : memref<513x128xf32, #tpu.memory_space<vmem>>, vector<513x128xf32>
    %add3A = arith.addf %get3A_1, %get3A_4 : vector<513x128xf32>
    %broadcast_in_dim3A = vector.shape_cast %add3A : vector<513x128xf32> to vector<1x513x128xf32>
    %get3A_5 = arith.constant 0 : index
    %get3A_6 = arith.constant 0 : index
    %get3A_7 = vector.load %arg2[%get3A_5, %get3A_6] : memref<3x128xf32, #tpu.memory_space<vmem>>, vector<3x128xf32>
    %broadcast_in_dim3A_8 = vector.shape_cast %get3A_7 : vector<3x128xf32> to vector<3x1x128xf32>
    %add3A_9 = vector.broadcast %broadcast_in_dim3A : vector<1x513x128xf32> to vector<3x513x128xf32>
    %add3A_10 = vector.broadcast %broadcast_in_dim3A_8 : vector<3x1x128xf32> to vector<3x513x128xf32>
    %add3A_11 = arith.addf %add3A_9, %add3A_10 : vector<3x513x128xf32>
    %swap3A = arith.constant 0 : index
    %swap3A_12 = arith.constant 0 : index
    %swap3A_13 = arith.constant 0 : index
    %swap3A_14 = vector.load %arg3[%swap3A, %swap3A_12, %swap3A_13] : memref<3x513x128xf32, #tpu.memory_space<vmem>>, vector<3x513x128xf32>
    tpu.vector_store %arg3[%swap3A, %swap3A_12, %swap3A_13], %add3A_11 {strides = array<i32>} : memref<3x513x128xf32, #tpu.memory_space<vmem>>, vector<3x513x128xf32>,
    return
  }
}

</mosaic_0001>

<sc_bundles>
// kernel: _run.4.cloned.1.call-start
scs
__scs_entry_jumppad:
0x0: {  	(pc) =	sbr.rel $0x88, $3  }
0x1: {  	(tag) =	ssettag $0x0;
	lr =	simm.s32 $0x1  }
0x2: {  	[smem:$0x3F9C] =	sst lr;
	_ =	strace $0xD0000000  }
0x3: {  	_ = 	snop  }
0x4: {  	_ = 	snop  }
0x5: {  	_ = 	snop  }
0x6: {  	_ = 	snop  }
0x7: {  	_ = 	snop  }
__scs_overlays_trampoline_lowered:
0x8: {  	[smem:$0x3FAB] =	sst s0  }
0x9: {  	[smem:$0x3FAC] =	sst s1  }
0xa: {  	[smem:$0x3FAD] =	sst s2  }
0xb: {  	[smem:$0x3FAE] =	sst s3  }
0xc: {  	[smem:$0x3FAF] =	sst s4  }
0xd: {  	[smem:$0x3FB0] =	sst s5  }
0xe: {  	[smem:$0x3FB1] =	sst s6  }
0xf: {  	[smem:$0x3FB2] =	sst s7  }
0x10: {  	[smem:$0x3FB3] =	sst s8  }
0x11: {  	[smem:$0x3FB4] =	sst s9;
	s0 =	simm.s32 @!p0 $0x0  }
0x12: {  	s1 =	sld [smem:$0x3F9A];
	s0 =	simm.s32 @p0 $0x1  }
0x13: {  	[smem:$0x3FB5] =	sst s0;
	s0 =	simm.s32 @!p1 $0x0  }
0x14: {  	s2 =	sld [smem:$0x3F99];
	s0 =	simm.s32 @p1 $0x1  }
0x15: {  	[smem:$0x3FB6] =	sst s0;
	s0 =	simm.s32 @!p2 $0x0  }
0x16: {  	s3 =	sld [smem:$0x3FDB];
	s0 =	simm.s32 @p2 $0x1  }
0x17: {  	s4 =	simm.s32 $0x1BF5;
	[smem:$0x3FB8] =	sst s0  }
0x18: {  	s0 =	sld [smem:$0x3F9B];
	_ =	swait.ge [sflag:s4], $0x0  }
0x19: {  	s7 =	sld [smem:$0x3F9C]  }
0x1a: {  	s8 =	sadd.s32 $0xFFFFE003, lr  }
0x1b: {  	s9 =	sadd.s32 $0xFFFFFEF7, lr;
	s5 =	simm.s32 $0xFFFFFFFF;
	p2 =	slt.u32 s8, $0xFFFFF086  }
0x1c: {  	p1 =	slt.u32 s9, $0xF7A;
	s5 =	simm.s32 @!p2 $0x0  }
0x1d: {  	s5 =	simm.s32 @p1 $0x1;
	p0 =	seq.s32 s7, s2  }
0x1e: {  	s7 =	smul.u32 @!p0 $0xF7A, s2;
	p2 =	seq.s32 @!p0 s5, $0x0  }
0x1f: {  	s9 =	smul.u32 $0xF7A, s1;
	s8 =	simm.s32 @!p0 $0x1BF5;
	p2 =	por !p2, p0  }
0x20: {  	[sflag:s8] =	ssyncset.s32 @!p0 $0xFFFFF086;
	s6 =	sadd.s32 @!p0 s3, s7;
	s7 =	simm.s32 @!p0 $0x108  }
0x21: {  	s3 =	sadd.s32 s3, s9;
	s6 =	sadd.s32 @!p0 $0x88, s6;
	s7 =	simm.s32 @p2 $0x1082  }
0x22: {  	[simem:s7], [sflag:s8] =	dma.local @!p0 [hbm:s6], $0xF7A  }
0x23: {  	s9 =	sor.u32 $0xD0000000, s2;
	s6 =	simm.s32 $0x108;
	_ =	swait.ge @!p0 [sflag:s8], $0x0  }
0x24: {  	s3 =	sadd.s32 $0x88, s3;
	s6 =	simm.s32 @!p1 $0x1082;
	[sflag:s4] =	ssyncset.s32 $0xFFFFF086  }
0x25: {  	[simem:s6], [sflag:s4] =	dma.local [hbm:s3], $0xF7A  }
0x26: {  	[smem:$0x3F9C] =	sst s1;
	(tag) =	ssettag s2;
	_ =	strace s9  }
0x27: {  	s1 =	sld [smem:$0x3FAC]  }
0x28: {  	s2 =	sld [smem:$0x3FAD]  }
0x29: {  	s4 =	sld [smem:$0x3FAF]  }
0x2a: {  	p0 =	seq.s32 s5, $0x0;
	s5 =	sld [smem:$0x3FB0]  }
0x2b: {  	s6 =	sld [smem:$0x3FB1]  }
0x2c: {  	s7 =	sld [smem:$0x3FB2]  }
0x2d: {  	s3 =	simm.s32 $0x108;
	s8 =	sld [smem:$0x3FB3]  }
0x2e: {  	s3 =	simm.s32 @!p0 $0x1082;
	s9 =	sld [smem:$0x3FB4]  }
0x2f: {  	lr =	sadd.s32 s0, s3;
	s0 =	sld [smem:$0x3FAB]  }
0x30: {  	s3 =	sld [smem:$0x3FAE]  }
0x31: {  	[smem:$0x3FB7] =	sst s10  }
0x32: {  	s10 =	sld [smem:$0x3FB5];
	_ =	sdelay $0x3  }
0x33: {  	p0 =	seq.s32 s10, $0x1;
	s10 =	sld [smem:$0x3FB7];
	_ =	sdelay $0x3  }
0x34: {  	[smem:$0x3FB7] =	sst s10  }
0x35: {  	s10 =	sld [smem:$0x3FB6];
	_ =	sdelay $0x3  }
0x36: {  	p1 =	seq.s32 s10, $0x1;
	s10 =	sld [smem:$0x3FB7];
	_ =	sdelay $0x3  }
0x37: {  	[smem:$0x3FB7] =	sst s10  }
0x38: {  	s10 =	sld [smem:$0x3FB8]  }
0x39: {  	_ = 	snop;
	(pc) =	sbr.ind lr, $3  }
0x3a: {  	_ = 	snop  }
0x3b: {  	_ = 	snop  }
0x3c: {  	p2 =	seq.s32 s10, $0x1;
	s10 =	sld [smem:$0x3FB7]  }
0x3d: {  	_ =	shalt  }
0x3e: {  	_ =	shalt  }
0x3f: {  	_ =	shalt  }
0x40: {  	_ =	shalt  }
0x41: {  	_ =	shalt  }
0x42: {  	_ =	shalt  }
0x43: {  	_ =	shalt  }
0x44: {  	_ =	shalt  }
0x45: {  	_ =	shalt  }
0x46: {  	_ =	shalt  }
0x47: {  	_ =	shalt  }
0x48: {  	_ =	shalt  }
0x49: {  	_ =	shalt  }
0x4a: {  	_ =	shalt  }
0x4b: {  	_ =	shalt  }
0x4c: {  	_ =	shalt  }
0x4d: {  	_ =	shalt  }
0x4e: {  	_ =	shalt  }
0x4f: {  	_ =	shalt  }
0x50: {  	_ =	shalt  }
0x51: {  	_ =	shalt  }
0x52: {  	_ =	shalt  }
0x53: {  	_ =	shalt  }
0x54: {  	_ =	shalt  }
0x55: {  	_ =	shalt  }
0x56: {  	_ =	shalt  }
0x57: {  	_ =	shalt  }
0x58: {  	_ =	shalt  }
0x59: {  	_ =	shalt  }
0x5a: {  	_ =	shalt  }
0x5b: {  	_ =	shalt  }
0x5c: {  	_ =	shalt  }
0x5d: {  	_ =	shalt  }
0x5e: {  	_ =	shalt  }
0x5f: {  	_ =	shalt  }
0x60: {  	_ =	shalt  }
0x61: {  	_ =	shalt  }
0x62: {  	_ =	shalt  }
0x63: {  	_ =	shalt  }
0x64: {  	_ =	shalt  }
0x65: {  	_ =	shalt  }
0x66: {  	_ =	shalt  }
0x67: {  	_ =	shalt  }
0x68: {  	_ =	shalt  }
0x69: {  	_ =	shalt  }
0x6a: {  	_ =	shalt  }
0x6b: {  	_ =	shalt  }
0x6c: {  	_ =	shalt  }
0x6d: {  	_ =	shalt  }
0x6e: {  	_ =	shalt  }
0x6f: {  	_ =	shalt  }
0x70: {  	_ =	shalt  }
0x71: {  	_ =	shalt  }
0x72: {  	_ =	shalt  }
0x73: {  	_ =	shalt  }
0x74: {  	_ =	shalt  }
0x75: {  	_ =	shalt  }
0x76: {  	_ =	shalt  }
0x77: {  	_ =	shalt  }
0x78: {  	_ =	shalt  }
0x79: {  	_ =	shalt  }
0x7a: {  	_ =	shalt  }
0x7b: {  	_ =	shalt  }
0x7c: {  	_ =	shalt  }
0x7d: {  	_ =	shalt  }
0x7e: {  	_ =	shalt  }
0x7f: {  	_ =	shalt  }
0x80: {  	_ =	shalt  }
0x81: {  	_ =	shalt  }
0x82: {  	_ =	shalt  }
0x83: {  	_ =	shalt  }
0x84: {  	_ =	shalt  }
0x85: {  	_ =	shalt  }
0x86: {  	_ =	shalt  }
0x87: {  	_ =	shalt  }
.Lfunc_end0:
.L_simem_size_0:
called_computation_lowered:
.L_overlay_start_0:
0x88: {  	s2 =	sld [smem:$0x3FD9]  }
0x89: {  	s3 =	sld [smem:$0x3FFE];
	_ =	sdelay $0x1  }
0x8a: {  	s1 =	srdreg.scid  }
0x8b: {  	s0 =	sand.u32 $0x1, s1  }
0x8c: {  	s17 =	sshll.u32 s0, $0xA;
	s2 =	sadd.s32 s3, s2  }
0x8d: {  	s2 =	sadd.s32 s2, s17  }
0x8e: {  	[smem:$0x3FC3] =	sst s2  }
0x8f: {  	_ = 	snop  }
0x90: {  	s2 =	sld [smem:$0x3FD0];
	(tm) =	ssettm $0x1  }
0x91: {  	s18 =	sld [smem:$0x3FFB];
	_ =	sdelay $0x3  }
0x92: {  	_ =	strace s18  }
0x93: {  	s3 =	sld [smem:$0x3FFC];
	_ =	sdelay $0x3  }
0x94: {  	_ =	strace s3  }
0x95: {  	s3 =	sld [smem:$0x3FFD];
	_ =	sdelay $0x3  }
0x96: {  	_ =	strace s3  }
0x97: {  	_ =	strace $0x8FFFFFFF  }
0x98: {  	s19 =	sld [smem:$0x3FDB];
	_ =	sdelay $0x1  }
0x99: {  	s4 =	simm.s32 $_scs_section_size  }
0x9a: {  	s5 =	simm.s32 $_size__tile_overlayer_lowered;
	s6 =	simm.s32 $_tile_overlayer_lowered  }
0x9b: {  	s22 =	simm.s32 $0x1BFF;
	s21 =	sshll.u32 s6, $0x1;
	s3 =	sadd.s32 s4, s19  }
0x9c: {  	s7 =	simm.s32 $0x0;
	s20 =	sshll.u32 s5, $0x1;
	s5 =	sadd.s32 s21, s3  }
0x9d: {  	[timem:s7], [sflag:s22] =	dma.local [hbm:s5], s20  }
0x9e: {  	_ =	swait.ge [sflag:s22], s20  }
0x9f: {  	s4 =	ssub.s32 $0x0, s20;
	[sflag:s22] =	ssyncset.done $0x0  }
0xa0: {  	[sflag:s22] =	ssyncadd.s32 s4;
	_ =	sdelay $0x1  }
0xa1: {  	s23 =	simm.s32 $0x1B8B  }
0xa2: {  	_ =	swait.ge [sflag:s23], $0x1  }
0xa3: {  	[sflag:s23] =	ssyncset.done $0x0  }
0xa4: {  	s25 =	simm.s32 $0x1B8E;
	s24 =	sld [smem:$0x3FFE];
	[sflag:s23] =	ssyncadd.s32 $0xFFFFFFFF  }
0xa5: {  	s26 =	simm.s32 $execute0_lowered;
	[smem:$0x3FD2] =	sst s25  }
0xa6: {  	s5 =	sshll.u32 s26, $0x1;
	_ =	strace $0x80000046;
	[dreg:$0x1] =	wrdreg $0xFFFFFFFF  }
0xa7: {  	s28 =	simm.s32 $_size_execute0_lowered;
	s3 =	sadd.s32 s3, s5;
	[dreg:$0x0] =	wrdreg $0x0  }
0xa8: {  	s5 =	sshll.u32 s28, $0x1;
	[dreg:$0x2] =	wrdreg s3  }
0xa9: {  	[dreg:$0x3] =	wrdreg s5  }
0xaa: {  	[dreg:$0x4] =	wrdreg $0xC0  }
0xab: {  	_ =	task [dreg:s7], $0x5FFFF  }
0xac: {  	[dreg:$0x1] =	wrdreg $0xFFFFFFFF  }
0xad: {  	[dreg:$0x0] =	wrdreg $0x60  }
0xae: {  	[dreg:$0x2] =	wrdreg s24  }
0xaf: {  	[dreg:$0x3] =	wrdreg s2  }
0xb0: {  	[dreg:$0x4] =	wrdreg $0x9  }
0xb1: {  	_ =	task.clear_ibuf [dreg:s7], $0x5FFFF;
	_ =	strace $0x90000046  }
0xb2: {  	s29 =	simm.s32 $0x9;
	_ =	strace $0x80000048  }
0xb3: {  	_ =	swait.ge [sflag:s29], $0x1  }
0xb4: {  	[sflag:s29] =	ssyncadd.s32 $0xFFFFFFFF  }
0xb5: {  	_ =	strace $0x90000048  }
0xb6: {  	_ =	sfence  }
0xb7: {  	s30 =	sld [smem:$0x0];
	_ =	sdelay $0x2  }
0xb8: {  	s31 =	sshll.u32 s1, $0xD;
	s1 =	sshrl.u32 s1, $0x2  }
0xb9: {  	s3 =	sand.u32 $0x4000, s31;
	s1 =	sadd.s32 s1, s30  }
0xba: {  	s0 =	sor.u32 s3, s0;
	s1 =	sshll.u32 s1, $0x11  }
0xbb: {  	s0 =	sor.u32 s1, s0  }
0xbc: {  	s0 =	sadd.s32 $0x8F2B, s0  }
0xbd: {  	[sflag:s0] =	ssyncadd.remote.s32 $0x1  }
0xbe: {  	_ =	sfence.sel $0xFFFF  }
0xbf: {  	[dreg:$0x0] =	wrdreg $0xFFFFFFFF;
	(pc) =	sbr.abs _section_cstart, $3  }
0xc0: {  	[dreg:$0x1] =	wrdreg $0xFFFFFFFF  }
0xc1: {  	_ =	task.clear_ibuf [dreg:s7], $0x2FFFF;
	_ =	strace $0x9FFFFFFF  }
0xc2: {  	(tm) =	ssettm $0x7FFFFFFF  }
0xc3: {  	_ =	shalt  }
tec
execute0_lowered:
.L_overlay_start_1:
0x0: {  	(tag) =	ssettag $0x1  }
0x1: {  	s0 =	rddreg [dreg:$0x0];
	s1 =	srdreg.scid  }
0x2: {  	s11 =	stileid.u32;
	s4 =	rddreg [dreg:$0x1]  }
0x3: {  	s2 =	simm.s32 $0x0;
	s12 =	simm.s32 $0xD;
	s14 =	simm.s32 $0x80  }
0x4: {  	s15 =	simm.s32 $0x3800;
	s17 =	simm.s32 $0x7800;
	s10 =	smul.u32 $0x190000, s11  }
0x5: {  	s28 =	simm.s32 $0x7;
	s1 =	sand.u32 $0x1, s1;
	s25 =	smul.u32 $0x32000, s11  }
0x6: {  	s29 =	simm.s32 $0x3;
	s3 =	sshll.u32 s11, $0x1;
	s23 =	smul.u32 $0xC8000, s1  }
0x7: {  	s5 =	sor.u32 s1, s3;
	s6 =	ssub.s32 $0x2, s1;
	s1 =	smul.u32 $0x19000, s1  }
0x8: {  	s30 =	simm.s32 $0x8;
	s31 =	simm.s32 $0x4;
	s3 =	smul.u32 $0x380, s5  }
0x9: {  	s16 =	simm.s32 $0xA;
	[smem:$0x7FF] =	sst s2;
	s8 =	smul.u32 $0xC8000, s5  }
0xa: {  	_ =	strace $0x80000047;
	s7 =	sshrl.u32 s6, $0x1;
	s5 =	smul.u32 $0x19000, s5  }
0xb: {  	s18 =	ssub.s32 s6, s7;
	s7 =	simm.s32 $0x1C00;
	s9 =	sadd.s32 s3, s0  }
0xc: {  	s3 =	sadd.s32 $0xA00, s0;
	s20 =	sshrl.u32 s8, $0x3;
	s0 =	smax.u32 s18, $0x1  }
0xd: {  	s5 =	sadd.s32 s4, s5;
	s18 =	simm.s32 $0xB;
	s19 =	sadd.s32 $0x6C00, s9  }
0xe: {  	s21 =	sadd.s32 $0xDC00, s9;
	s22 =	sadd.s32 s4, s20;
	[dreg:$0x7] =	wrdreg s0  }
0xf: {  	s9 =	sadd.s32 s23, s10;
	s0 =	sadd.s32 s25, s4;
	s23 =	simm.s32 $0x13800  }
0x10: {  	s25 =	simm.s32 $0x17800;
	s20 =	simm.s32 $0xC;
	[dreg:$0x3] =	wrdreg s19  }
0x11: {  	[dreg:$0x4] =	wrdreg s21;
	s6 =	sadd.s32 $0x18000, s22;
	s24 =	sadd.s32 $0x18800, s22  }
.Ltmp0:
0x12: {  	s10 =	sadd.s32 $0x14000, s9;
	s9 =	sadd.s32 $0x17000, s5;
	(pc) =	sbr.rel .LBB2_1-.Ltmp0, $4  }
0x13: {  	s19 =	simm.s32 $0xB800;
	s21 =	simm.s32 $0xF800;
	[dreg:$0x5] =	wrdreg s6  }
0x14: {  	s22 =	simm.s32 $0x0;
	[dreg:$0x6] =	wrdreg s24;
	s26 =	sshrl.u32 s10, $0x3  }
0x15: {  	s10 =	sadd.s32 s1, s0;
	s24 =	simm.s32 $0x1;
	s1 =	simm.s32 $0x6  }
0x16: {  	s0 =	simm.s32 $0x9;
	s11 =	sadd.s32 s26, s4;
	s26 =	simm.s32 $0x2  }
.LBB2_6:
0x17: {  	_ =	swait.ge [sflag:s24], $0x4000  }
0x18: {  	[sflag:s24] =	ssyncset.done $0x0  }
0x19: {  	s4 =	rddreg [dreg:$0x5];
	[sflag:s24] =	ssyncadd.s32 $0xFFFFC000  }
0x1a: {  	[hbm4b:s4+s2] =	stream.linear.scatter [tilespmem:s15], [sflag:$0x7], $0x4000, $0x38;
	[tilespmem:$0x1B800] =	vst v63  }
0x1b: {  	_ =	swait.ge [sflag:s26], $0x4000  }
0x1c: {  	[sflag:s26] =	ssyncset.done $0x0  }
0x1d: {  	s8 =	rddreg [dreg:$0x6];
	[sflag:s26] =	ssyncadd.s32 $0xFFFFC000  }
0x1e: {  	[hbm4b:s8+s2] =	stream.linear.scatter [tilespmem:s17], [sflag:$0x8], $0x4000, $0x38;
	[tilespmem:$0x1B800] =	vst v63  }
0x1f: {  	_ =	swait.ge [sflag:s0], $0x4000  }
0x20: {  	[sflag:s0] =	ssyncset.done $0x0  }
0x21: {  	[sflag:s0] =	ssyncadd.s32 $0xFFFFC000  }
0x22: {  	_ =	swait.ge [sflag:s16], $0x4000  }
0x23: {  	[sflag:s16] =	ssyncset.done $0x0  }
0x24: {  	[sflag:s16] =	ssyncadd.s32 $0xFFFFC000  }
0x25: {  	_ =	swait.ge [sflag:s18], $0x4000  }
0x26: {  	[sflag:s18] =	ssyncset.done $0x0  }
0x27: {  	[sflag:s18] =	ssyncadd.s32 $0xFFFFC000  }
0x28: {  	_ =	swait.ge [sflag:s20], $0x4000  }
0x29: {  	[sflag:s20] =	ssyncset.done $0x0  }
0x2a: {  	[sflag:s20] =	ssyncadd.s32 $0xFFFFC000  }
0x2b: {  	_ =	swait.ge [sflag:s28], $0x4000  }
0x2c: {  	[sflag:s28] =	ssyncset.done $0x0  }
0x2d: {  	[sflag:s28] =	ssyncadd.s32 $0xFFFFC000  }
0x2e: {  	_ =	swait.ge [sflag:s30], $0x4000  }
0x2f: {  	s22 =	sadd.s32 $0x1, s22;
	s13 =	rddreg [dreg:$0x7]  }
0x30: {  	p0 =	sne.s32 s22, s13  }
.Ltmp1:
0x31: {  	_ = 	snop;
	(pc) =	sbr.rel @!p0 .LBB2_7-.Ltmp1, $3  }
0x32: {  	_ =	sdelay $0x1  }
0x33: {  	[sflag:s30] =	ssyncset.done $0x0  }
0x34: {  	s7 =	simm.s32 $0x1C00;
	[sflag:s30] =	ssyncadd.s32 $0xFFFFC000  }
.LBB2_1:
0x35: {  	s4 =	rddreg [dreg:$0x3]  }
0x36: {  	[tilespmem:s2], [sflag:$0xD] =	stream.linear.gather [hbm4b:s4+s2], $0x1900, $0x38;
	[tilespmem:$0x1B800] =	vst v63  }
0x37: {  	_ =	swait.ge [sflag:s12], $0x1900  }
0x38: {  	[sflag:s12] =	ssyncset.done $0x0  }
0x39: {  	s13 =	rddreg [dreg:$0x4];
	[sflag:s12] =	ssyncadd.s32 $0xFFFFE700  }
0x3a: {  	[tilespmem:s7], [sflag:$0xD] =	stream.linear.gather [hbm4b:s13+s2], $0x1900, $0x38;
	[tilespmem:$0x1B800] =	vst v63  }
0x3b: {  	_ =	swait.ge [sflag:s12], $0x1900  }
0x3c: {  	[sflag:s12] =	ssyncset.done $0x0  }
0x3d: {  	s4 =	simm.s32 $0x0;
	[sflag:s12] =	ssyncadd.s32 $0xFFFFE700  }
0x3e: {  	v5 =	vld [tilespmem:s4+$0x0]  }
0x3f: {  	v4 =	vld [tilespmem:s4+$0x10]  }
0x40: {  	v3 =	vld [tilespmem:s4+$0x20]  }
0x41: {  	v2 =	vld [tilespmem:s4+$0x30]  }
0x42: {  	v1 =	vld [tilespmem:s4+$0x40]  }
0x43: {  	v0 =	vld [tilespmem:s4+$0x50]  }
0x44: {  	v6 =	vld [tilespmem:s4+$0x1C00]  }
0x45: {  	v11 =	vld [tilespmem:s4+$0x1C10]  }
0x46: {  	v10 =	vld [tilespmem:s4+$0x1C20]  }
0x47: {  	v9 =	vld [tilespmem:s4+$0x1C30]  }
0x48: {  	v8 =	vld [tilespmem:s4+$0x1C40]  }
0x49: {  	v7 =	vld [tilespmem:s4+$0x1C50];
	v12 =	vmul.u32 $0x201, v6  }
0x4a: {  	s5 =	simm.s32 $0x200;
	v11 =	vmul.u32 $0x201, v11;
	v6 =	vld [tilespmem:s4+$0x1C60]  }
.LBB2_2:
0x4b: {  	p0 =	sne.s32 s5, $0x6200;
	v5 =	vadd.s32 v5, v12;
	v10 =	vmul.u32 $0x201, v10;
	v12 =	vld [tilespmem:s4+$0x1C70]  }
0x4c: {  	[tilespmem:s4+$0x1C00] =	vst v5;
	v4 =	vadd.s32 v4, v11;
	v9 =	vmul.u32 $0x201, v9;
	v11 =	vld [tilespmem:s4+$0x60]  }
0x4d: {  	s6 =	sshra.s32 s5, $0x2;
	[tilespmem:s4+$0x1C10] =	vst v4;
	v3 =	vadd.s32 v3, v10;
	v8 =	vmul.u32 $0x201, v8;
	v10 =	vld [tilespmem:s4+$0x70]  }
0x4e: {  	v5 =	vld [tilespmem:s6+$0x0];
	[tilespmem:s4+$0x1C20] =	vst v3;
	v2 =	vadd.s32 v2, v9;
	v7 =	vmul.u32 $0x201, v7  }
0x4f: {  	v4 =	vld [tilespmem:s6+$0x10];
	[tilespmem:s4+$0x1C30] =	vst v2;
	v1 =	vadd.s32 v1, v8;
	v6 =	vmul.u32 $0x201, v6  }
0x50: {  	v3 =	vld [tilespmem:s6+$0x20];
	[tilespmem:s4+$0x1C40] =	vst v1;
	v0 =	vadd.s32 v0, v7;
	v7 =	vmul.u32 $0x201, v12  }
0x51: {  	v2 =	vld [tilespmem:s6+$0x30];
	[tilespmem:s4+$0x1C50] =	vst v0;
	v0 =	vadd.s32 v11, v6  }
0x52: {  	v1 =	vld [tilespmem:s6+$0x40];
	[tilespmem:s4+$0x1C60] =	vst v0;
	v6 =	vadd.s32 v10, v7  }
0x53: {  	v0 =	vld [tilespmem:s6+$0x50];
	[tilespmem:s4+$0x1C70] =	vst v6;
	s4 =	smov.u32 s6  }
0x54: {  	v6 =	vld [tilespmem:s4+$0x1C00]  }
0x55: {  	v11 =	vld [tilespmem:s4+$0x1C10]  }
.Ltmp2:
0x56: {  	v10 =	vld [tilespmem:s4+$0x1C20];
	(pc) =	sbr.rel @p0 .LBB2_2-.Ltmp2, $4  }
0x57: {  	v9 =	vld [tilespmem:s4+$0x1C30]  }
0x58: {  	v8 =	vld [tilespmem:s4+$0x1C40]  }
0x59: {  	v12 =	vmul.u32 $0x201, v6;
	v7 =	vld [tilespmem:s4+$0x1C50]  }
0x5a: {  	s5 =	sadd.s32 $0x200, s5;
	v11 =	vmul.u32 $0x201, v11;
	v6 =	vld [tilespmem:s4+$0x1C60]  }
0x5b: {  	v5 =	vadd.s32 v5, v12;
	v54 =	vld [tilespmem:s4+$0x1C70];
	v55 =	vmul.u32 $0x201, v10  }
0x5c: {  	v56 =	vld [tilespmem:s4+$0x60];
	[tilespmem:s4+$0x1C00] =	vst v5;
	v4 =	vadd.s32 v4, v11;
	v9 =	vmul.u32 $0x201, v9  }
0x5d: {  	v58 =	vld [tilespmem:s4+$0x70];
	[tilespmem:s4+$0x1C10] =	vst v4;
	v3 =	vadd.s32 v3, v55;
	v57 =	vmul.u32 $0x201, v8  }
0x5e: {  	[tilespmem:s4+$0x1C20] =	vst v3;
	v2 =	vadd.s32 v2, v9;
	v59 =	vmul.u32 $0x201, v7  }
0x5f: {  	[tilespmem:s4+$0x1C30] =	vst v2;
	v1 =	vadd.s32 v1, v57;
	v60 =	vmul.u32 $0x201, v6  }
0x60: {  	[tilespmem:s4+$0x1C40] =	vst v1;
	v0 =	vadd.s32 v0, v59;
	v61 =	vmul.u32 $0x201, v54  }
0x61: {  	[tilespmem:s4+$0x1C50] =	vst v0;
	v62 =	vadd.s32 v56, v60  }
0x62: {  	[tilespmem:s4+$0x1C60] =	vst v62;
	v63 =	vadd.s32 v58, v61  }
0x63: {  	[tilespmem:s4+$0x1C70] =	vst v63  }
0x64: {  	[tilespmem:s15], [sflag:$0x1] =	stream.indirect.gather [hbm4b:s3+s14], $0x80, s7, s14, $0xb8;
	[tilespmem:$0x1B800] =	vst v63  }
0x65: {  	s6 =	simm.s32 $0x1C80  }
0x66: {  	[tilespmem:s17], [sflag:$0x2] =	stream.indirect.gather [hbm4b:s3+s14], $0x80, s6, s14, $0xb8;
	[tilespmem:$0x1B800] =	vst v63  }
0x67: {  	s7 =	simm.s32 $0x1D00  }
0x68: {  	[tilespmem:s19], [sflag:$0x3] =	stream.indirect.gather [hbm4b:s3+s14], $0x80, s7, s14, $0xb8;
	[tilespmem:$0x1B800] =	vst v63  }
0x69: {  	s8 =	simm.s32 $0x1D80  }
0x6a: {  	[tilespmem:s21], [sflag:$0x4] =	stream.indirect.gather [hbm4b:s3+s14], $0x80, s8, s14, $0xb8;
	[tilespmem:$0x1B800] =	vst v63  }
0x6b: {  	s13 =	simm.s32 $0x1E00;
	s5 =	simm.s32 $0x1E80;
	s4 =	simm.s32 $0x0  }
0x6c: {  	[tilespmem:s23], [sflag:$0x5] =	stream.indirect.gather [hbm4b:s3+s14], $0x80, s13, s14, $0xb8;
	[tilespmem:$0x1B800] =	vst v63  }
.LBB2_4:
0x6d: {  	_ =	swait.ge [sflag:s24], $0x4000  }
0x6e: {  	p0 =	seq.s32 s4, $0x0;
	[sflag:s24] =	ssyncset.done $0x0  }
0x6f: {  	s6 =	sadd.s32 s4, s10;
	s7 =	simm.s32 @!p0 $0xC;
	[sflag:s24] =	ssyncadd.s32 $0xFFFFC000  }
0x70: {  	[hbm4b:s6+s2] =	stream.linear.scatter [tilespmem:s15], [sflag:$0x7], $0x4000, $0x38;
	[tilespmem:$0x1B800] =	vst v63  }
0x71: {  	_ =	swait.ge @!p0 [sflag:s7], $0x4000  }
0x72: {  	[sflag:s7] =	ssyncset.done @!p0 $0x0  }
0x73: {  	[sflag:s7] =	ssyncadd.s32 @!p0 $0xFFFFC000  }
0x74: {  	[tilespmem:s25], [sflag:$0x6] =	stream.indirect.gather [hbm4b:s3+s14], $0x80, s5, s14, $0xb8;
	[tilespmem:$0x1B800] =	vst v63  }
0x75: {  	_ =	swait.ge [sflag:s26], $0x4000  }
0x76: {  	[sflag:s26] =	ssyncset.done $0x0  }
0x77: {  	s13 =	sadd.s32 $0x800, s6;
	[sflag:s26] =	ssyncadd.s32 $0xFFFFC000  }
0x78: {  	[hbm4b:s13+s2] =	stream.linear.scatter [tilespmem:s17], [sflag:$0x8], $0x4000, $0x38;
	[tilespmem:$0x1B800] =	vst v63  }
0x79: {  	_ =	swait.ge [sflag:s28], $0x4000  }
0x7a: {  	[sflag:s28] =	ssyncset.done $0x0  }
0x7b: {  	s8 =	sadd.s32 $0x80, s5;
	[sflag:s28] =	ssyncadd.s32 $0xFFFFC000  }
0x7c: {  	[tilespmem:s15], [sflag:$0x1] =	stream.indirect.gather [hbm4b:s3+s14], $0x80, s8, s14, $0xb8;
	[tilespmem:$0x1B800] =	vst v63  }
0x7d: {  	_ =	swait.ge [sflag:s29], $0x4000  }
0x7e: {  	[sflag:s29] =	ssyncset.done $0x0  }
0x7f: {  	s13 =	sadd.s32 $0x1000, s6;
	[sflag:s29] =	ssyncadd.s32 $0xFFFFC000  }
0x80: {  	[hbm4b:s13+s2] =	stream.linear.scatter [tilespmem:s19], [sflag:$0x9], $0x4000, $0x38;
	[tilespmem:$0x1B800] =	vst v63  }
0x81: {  	_ =	swait.ge [sflag:s30], $0x4000  }
0x82: {  	[sflag:s30] =	ssyncset.done $0x0  }
0x83: {  	s8 =	sadd.s32 $0x100, s5;
	[sflag:s30] =	ssyncadd.s32 $0xFFFFC000  }
0x84: {  	[tilespmem:s17], [sflag:$0x2] =	stream.indirect.gather [hbm4b:s3+s14], $0x80, s8, s14, $0xb8;
	[tilespmem:$0x1B800] =	vst v63  }
0x85: {  	_ =	swait.ge [sflag:s31], $0x4000  }
0x86: {  	[sflag:s31] =	ssyncset.done $0x0  }
0x87: {  	p0 =	seq.s32 s4, $0x15000;
	s6 =	sadd.s32 $0x1800, s6;
	[sflag:s31] =	ssyncadd.s32 $0xFFFFC000  }
0x88: {  	[hbm4b:s6+s2] =	stream.linear.scatter [tilespmem:s21], [sflag:$0xA], $0x4000, $0x38;
	[tilespmem:$0x1B800] =	vst v63  }
0x89: {  	s6 =	simm.s32 @p0 $0x5  }
0x8a: {  	_ =	swait.ge @p0 [sflag:s6], $0x4000  }
0x8b: {  	[sflag:s6] =	ssyncset.done @p0 $0x0  }
0x8c: {  	s7 =	simm.s32 @p0 $0x13800;
	[sflag:s6] =	ssyncadd.s32 @p0 $0xFFFFC000;
	s6 =	simm.s32 @p0 $0x0  }
0x8d: {  	[hbm4b:s9+s6] =	stream.linear.scatter @p0 [tilespmem:s7], [sflag:$0xB], $0x4000, $0x38;
	[tilespmem:$0x1B800] =	vst v63  }
0x8e: {  	s6 =	simm.s32 @!p0 $0x9  }
0x8f: {  	_ =	swait.ge @!p0 [sflag:s6], $0x4000  }
0x90: {  	s8 =	simm.s32 @!p0 $0xB800;
	[sflag:s6] =	ssyncset.done @!p0 $0x0  }
0x91: {  	s7 =	simm.s32 @!p0 $0x80;
	[sflag:s6] =	ssyncadd.s32 @!p0 $0xFFFFC000;
	s6 =	sadd.s32 @!p0 $0x180, s5  }
0x92: {  	[tilespmem:s8], [sflag:$0x3] =	stream.indirect.gather @!p0 [hbm4b:s3+s7], $0x80, s6, s7, $0xb8;
	[tilespmem:$0x1B800] =	vst v63  }
0x93: {  	s6 =	simm.s32 @!p0 $0x5  }
0x94: {  	_ =	swait.ge @!p0 [sflag:s6], $0x4000  }
0x95: {  	[sflag:s6] =	ssyncset.done @!p0 $0x0  }
0x96: {  	[sflag:s6] =	ssyncadd.s32 @!p0 $0xFFFFC000;
	s6 =	sadd.s32 @!p0 s4, s10  }
0x97: {  	s13 =	simm.s32 @!p0 $0x13800;
	s8 =	simm.s32 @!p0 $0x0;
	s6 =	sadd.s32 @!p0 $0x2000, s6  }
0x98: {  	[hbm4b:s6+s8] =	stream.linear.scatter @!p0 [tilespmem:s13], [sflag:$0xB], $0x4000, $0x38;
	[tilespmem:$0x1B800] =	vst v63  }
0x99: {  	s6 =	simm.s32 @!p0 $0xA  }
0x9a: {  	_ =	swait.ge @!p0 [sflag:s6], $0x4000  }
0x9b: {  	[sflag:s6] =	ssyncset.done @!p0 $0x0  }
0x9c: {  	s8 =	simm.s32 @!p0 $0xF800;
	[sflag:s6] =	ssyncadd.s32 @!p0 $0xFFFFC000;
	s6 =	sadd.s32 @!p0 $0x200, s5  }
0x9d: {  	[tilespmem:s8], [sflag:$0x4] =	stream.indirect.gather @!p0 [hbm4b:s3+s7], $0x80, s6, s7, $0xb8;
	[tilespmem:$0x1B800] =	vst v63  }
.Ltmp3:
0x9e: {  	_ = 	snop;
	(pc) =	sbr.rel @p0 .LBB2_6-.Ltmp3, $4  }
0x9f: {  	_ =	swait.ge [sflag:s1], $0x4000  }
0xa0: {  	[sflag:s1] =	ssyncset.done $0x0  }
0xa1: {  	s13 =	sadd.s32 s4, s11;
	[sflag:s1] =	ssyncadd.s32 $0xFFFFC000  }
0xa2: {  	[hbm4b:s13+s2] =	stream.linear.scatter [tilespmem:s25], [sflag:$0xC], $0x4000, $0x38;
	[tilespmem:$0x1B800] =	vst v63  }
.Ltmp4:
0xa3: {  	(pc) =	sbr.rel .LBB2_4-.Ltmp4, $4  }
0xa4: {  	_ =	swait.ge [sflag:s18], $0x4000  }
0xa5: {  	s6 =	sadd.s32 $0x280, s5;
	[sflag:s18] =	ssyncset.done $0x0  }
0xa6: {  	s4 =	sadd.s32 $0x3000, s4;
	s5 =	sadd.s32 $0x300, s5;
	[sflag:s18] =	ssyncadd.s32 $0xFFFFC000  }
0xa7: {  	[tilespmem:s23], [sflag:$0x5] =	stream.indirect.gather [hbm4b:s3+s14], $0x80, s6, s14, $0xb8;
	[tilespmem:$0x1B800] =	vst v63  }
.LBB2_7:
0xa8: {  	_ =	sfence.sel $0x180000  }
0xa9: {  	[bflag:$0x0] =	sbarrier.arrive $0xFFFF  }
0xaa: {  	_ =	strace $0x90000047  }
0xab: {  	s0 =	stileid.u32;
	[bflag:$0x2] =	sbarrier.arrive $0xFFFF  }
0xac: {  	p0 =	sne.s32 s0, $0x0;
	s0 =	rddreg [dreg:$0x2]  }
0xad: {  	s0 =	sadd.s32 @!p0 $0x100000, s0  }
0xae: {  	[sflag:s0] =	ssyncadd.tile.s32 @!p0 $0x1;
	_ =	shalt  }
.Lfunc_end2:
_tile_overlayer_lowered:
.L_overlay_start_2:
0xaf: {  	(tag) =	ssettag $0x2  }
0xb0: {  	s0 =	rddreg [dreg:$0x0];
	s2 =	stileid.u32  }
0xb1: {  	s1 =	rddreg [dreg:$0x1];
	p0 =	sne.s32 s2, $0x0  }
0xb2: {  	s3 =	rddreg [dreg:$0x2];
	[bflag:$0x3] =	sbarrier.arrive $0xFFFF;
	s2 =	simm.s32 @!p0 $0x1C0D  }
0xb3: {  	[timem:s3], [sflag:s2] =	dma.local @!p0 [hbm:s0], s1  }
0xb4: {  	s0 =	simm.s32 @!p0 $0xD  }
0xb5: {  	_ =	swait.ge @!p0 [sflag:s0], s1  }
0xb6: {  	s1 =	ssub.s32 @!p0 $0x0, s1;
	[sflag:s0] =	ssyncset.done @!p0 $0x0  }
0xb7: {  	[sflag:s0] =	ssyncadd.s32 @!p0 s1  }
0xb8: {  	[bflag:$0x3] =	sbarrier.arrive $0xFFFF  }
0xb9: {  	_ =	shalt  }

</sc_bundles>
